<compile_context>
chip_gen: v7x
topology: tpu7x:2x2x1
jax: 0.10.2.dev20260603
libtpu: 0.0.44.dev20260713+nightly
codegen_flags: <defaults>
</compile_context>

<pallas_src>
import functools

import jax
import jax.numpy as jnp
from jax import lax
from jax.experimental import pallas as pl
from jax.experimental.pallas import tpu as pltpu
from jax.experimental.pallas import tpu_sc as plsc

BATCH = 16384
HIST = 50
EMB = 32
ROW = 128
OW = 64


def _tca_tab(table_t):
    V = table_t.shape[1]
    TBLK = 16384
    grid = (pl.cdiv(V, TBLK),)

    def body(tin, tout):
        t = tin[...].T.reshape(TBLK // 4, 4, EMB)
        for j in range(4):
            tout[:, EMB * j:EMB * (j + 1)] = t[:, j, :]

    return pl.pallas_call(
        body,
        grid=grid,
        in_specs=[pl.BlockSpec((EMB, TBLK), lambda i: (0, i))],
        out_specs=pl.BlockSpec((TBLK // 4, ROW), lambda i: (i, 0)),
        out_shape=jax.ShapeDtypeStruct((V // 4, ROW), jnp.float32),
    )(table_t)


def _tca_idx(xt):
    XBLK = 4096
    grid = (BATCH // XBLK,)

    def body(tin, tout):
        tout[:, :HIST] = tin[...].T

    return pl.pallas_call(
        body,
        grid=grid,
        in_specs=[pl.BlockSpec((HIST, XBLK), lambda i: (0, i))],
        out_specs=pl.BlockSpec((XBLK, ROW), lambda i: (i, 0)),
        out_shape=jax.ShapeDtypeStruct((BATCH, ROW), jnp.int32),
    )(xt)


def _tcc(outp):
    BB = 512
    RPB = HIST * OW // ROW
    grid = (BATCH // BB,)

    def body(tin, tout):
        t = tin[...].reshape(BB, HIST * OW).T
        tout[...] = t.reshape(HIST, OW, BB)[:, :EMB, :]

    return pl.pallas_call(
        body,
        grid=grid,
        in_specs=[pl.BlockSpec((BB * RPB, ROW), lambda i: (i, 0))],
        out_specs=pl.BlockSpec((HIST, EMB, BB), lambda i: (0, 0, i)),
        out_shape=jax.ShapeDtypeStruct((HIST, EMB, BATCH), jnp.float32),
    )(outp)


def _make_scb(V):
    info = plsc.get_sparse_core_info()
    NC, NS = info.num_cores, info.num_subcores
    NW = NC * NS
    b_per_w = BATCH // NW
    XST = 2
    xb_st = b_per_w // XST
    n_st = xb_st * HIST
    CH = 128
    GC = 4
    GROUP = CH * GC
    NBUF = 2
    n_groups = n_st // GROUP

    mesh = plsc.VectorSubcoreMesh(core_axis_name="c", subcore_axis_name="s")

    @functools.partial(
        pl.kernel,
        mesh=mesh,
        compiler_params=pltpu.CompilerParams(
            use_tc_tiling_on_sc=False, needs_layout_passes=False),
        out_type=jax.ShapeDtypeStruct((BATCH * HIST, OW), jnp.float32),
        scratch_types=[
            pltpu.VMEM((xb_st, ROW), jnp.int32),
            pltpu.VMEM((n_st,), jnp.int32),
            pltpu.VMEM((NBUF, GROUP, EMB), jnp.float32),
            pltpu.SemaphoreType.DMA((NBUF,)),
            pltpu.SemaphoreType.DMA((NBUF,)),
        ],
    )
    def scb(xb_hbm, tab_hbm, out_hbm, xv, xf, rows_v, gsem, ssem):
        cid = lax.axis_index("c")
        sid = lax.axis_index("s")
        wid = cid * NS + sid
        base = wid * b_per_w
        lanes = lax.iota(jnp.int32, 16)

        def x_stage(st, carry):
            pltpu.sync_copy(xb_hbm.at[pl.ds(base + st * xb_st, xb_st)], xv)

            def tr_body(k, carry2):
                s = lanes + k * 16
                vals = plsc.load_gather(xv, [s // HIST, s % HIST])
                xf[pl.ds(k * 16, 16)] = vals
                return carry2

            lax.fori_loop(0, n_st // 16, tr_body, 0)

            row0 = (base + st * xb_st) * HIST

            def issue_gathers(g, b):
                for j in range(GC):
                    pltpu.async_copy(
                        tab_hbm.at[xf.at[pl.ds(g * GROUP + j * CH, CH)]],
                        rows_v.at[b, pl.ds(j * CH, CH)],
                        gsem.at[b],
                    )

            def wait_gathers(g, b):
                for j in range(GC):
                    pltpu.make_async_copy(
                        tab_hbm.at[xf.at[pl.ds(g * GROUP + j * CH, CH)]],
                        rows_v.at[b, pl.ds(j * CH, CH)],
                        gsem.at[b],
                    ).wait()

            def wait_store(b):
                pltpu.make_async_copy(
                    rows_v.at[b],
                    out_hbm.at[pl.ds(0, GROUP), pl.ds(0, EMB)],
                    ssem.at[b],
                ).wait()

            issue_gathers(0, 0)

            def group_body(g, carry2):
                b = g % NBUF
                wait_gathers(g, b)
                pltpu.async_copy(
                    rows_v.at[b],
                    out_hbm.at[pl.ds(row0 + g * GROUP, GROUP),
                               pl.ds(0, EMB)],
                    ssem.at[b],
                )
                gn = g + 1
                bn = gn % NBUF

                @pl.when(jnp.logical_and(gn < n_groups, g >= 1))
                def _():
                    wait_store(bn)

                @pl.when(gn < n_groups)
                def _():
                    issue_gathers(gn, bn)

                return carry2

            lax.fori_loop(0, n_groups, group_body, 0)

            for t in range(n_groups - NBUF, n_groups):
                wait_store(t % NBUF)
            return carry

        lax.fori_loop(0, XST, x_stage, 0)

    return scb


def kernel(x, table):
    V, D = table.shape
    xt = x.astype(jnp.int32).T
    tab2d = _tca_tab(table.T)
    xb = _tca_idx(xt)
    tab_lin = tab2d.reshape(V, EMB)
    out64 = _make_scb(V)(xb, tab_lin)
    out_t = _tcc(out64.reshape(BATCH * HIST * OW // ROW, ROW))
    return out_t.transpose(2, 0, 1)

# --- scband reference (transcript-rebuilt; emitter-appended) ---
"""Pipeline reference for scband-text-embedding-86844238725630 (READ-ONLY COPY).

The authoritative reference and input builder live on the scoring server;
editing this copy changes nothing except your own understanding.
"""

import jax, jax.numpy as jnp
import numpy as np

VOCAB = 1000000
EMBED_DIM = 32
BATCH = 16384
HIST = 50


def setup_inputs(seed: int = 0) -> dict:
    key = jax.random.key(seed)
    k_idx, k_tab = jax.random.split(key)
    x = jax.random.randint(k_idx, (BATCH, HIST), 0, VOCAB, dtype=jnp.int64 if jax.config.read('jax_enable_x64') else jnp.int32)
    table = jax.random.normal(k_tab, (VOCAB, EMBED_DIM), dtype=jnp.float32)
    return {"x": x, "table": table}


def reference(x, table):
    # TextEmbedding.forward: embedding lookup followed by Dropout2d + Dropout.
    # Dropout layers are identity at inference time, so the faithful eval-mode
    # computation is a pure gather from the pretrained embedding table.
    emb = jnp.take(table, x, axis=0)  # [B, L, D]
    return emb

if __name__ == "__main__":
    import jax
    _d = setup_inputs()
    print(jax.jit(kernel)(*tuple(_d.values())))

</pallas_src>

<mosaic_0001>
#map = affine_map<(d0, d1) -> (0, 0)>
module attributes {stable_mosaic.version = 14 : i64} {
  func.func @scb(%arg0: i32, %arg1: i32, %arg2: memref<16384x128xi32, #tpu.memory_space<hbm>>, %arg3: memref<1000000x32xf32, #tpu.memory_space<hbm>>, %arg4: memref<819200x64xf32, #tpu.memory_space<hbm>>, %arg5: memref<256x128xi32, #tpu.memory_space<vmem>>, %arg6: memref<12800xi32, #tpu.memory_space<vmem>>, %arg7: memref<2x512x32xf32, #tpu.memory_space<vmem>>, %arg8: memref<2x!tpu.dma_semaphore, #tpu.memory_space<semaphore_mem>>, %arg9: memref<2x!tpu.dma_semaphore, #tpu.memory_space<semaphore_mem>>) attributes {dimension_semantics = [#tpu.dimension_semantics<core_parallel>, #tpu.dimension_semantics<subcore_parallel>], iteration_bounds = array<i64: 2, 16>, scalar_prefetch = 0 : i64, scratch_operands = 5 : i64, tpu.core_type = #tpu.core_type<sc_vector_subcore>, window_params = [{transform_indices = #map}, {transform_indices = #map}, {transform_indices = #map}]} {
    %mul3A = arith.constant 16 : i32
    %mul3A_0 = arith.muli %arg0, %mul3A : i32
    %add3A = arith.addi %mul3A_0, %arg1 : i32
    %mul3A_1 = arith.constant 512 : i32
    %mul3A_2 = arith.muli %add3A, %mul3A_1 : i32
    %iota3A = tpu.iota {dimensions = array<i32: 0>} : vector<16xi32>
    %scan3A = arith.constant 0 : i32
    %scan3A_3 = arith.constant 0 : i32
    %scan3A_4 = arith.constant 2 : i32
    %scan3A_5 = arith.addi %scan3A_3, %scan3A_4 : i32
    %scan3A_6 = arith.constant 1 : i32
    scf.for %scan3A_8 = %scan3A_3 to %scan3A_5 step %scan3A_6  : i32 {
      %mul3A_9 = arith.constant 256 : i32
      %mul3A_10 = arith.muli %scan3A_8, %mul3A_9 : i32
      %add3A_11 = arith.addi %mul3A_2, %mul3A_10 : i32
      "tpu.region"() ({
        %run_scoped3A = tpu.sem_alloc : memref<!tpu.dma_semaphore, #tpu.memory_space<semaphore_mem>>
        %dma_start3A_115 = arith.constant 0 : i32
        %dma_start3A_116 = tpu.memref_slice %arg2[%add3A_11, %dma_start3A_115] : memref<16384x128xi32, #tpu.memory_space<hbm>> -> memref<256x128xi32, #tpu.memory_space<hbm>>
        %dma_start3A_117 = arith.constant 0 : i32
        %dma_start3A_118 = tpu.memref_slice %arg2[%add3A_11, %dma_start3A_117] : memref<16384x128xi32, #tpu.memory_space<hbm>> -> memref<256x128xi32, #tpu.memory_space<hbm>>
        tpu.enqueue_dma source(%dma_start3A_118 : memref<256x128xi32, #tpu.memory_space<hbm>>) target(%arg5 : memref<256x128xi32, #tpu.memory_space<vmem>>) target_semaphore(%run_scoped3A : memref<!tpu.dma_semaphore, #tpu.memory_space<semaphore_mem>>)
        %dma_wait3A_119 = arith.constant 0 : i32
        %dma_wait3A_120 = tpu.memref_slice %arg2[%add3A_11, %dma_wait3A_119] : memref<16384x128xi32, #tpu.memory_space<hbm>> -> memref<256x128xi32, #tpu.memory_space<hbm>>
        %dma_wait3A_121 = arith.constant 0 : i32
        %dma_wait3A_122 = tpu.memref_slice %arg2[%add3A_11, %dma_wait3A_121] : memref<16384x128xi32, #tpu.memory_space<hbm>> -> memref<256x128xi32, #tpu.memory_space<hbm>>
        tpu.wait_dma2 semaphore(%run_scoped3A : memref<!tpu.dma_semaphore, #tpu.memory_space<semaphore_mem>>) src(%dma_wait3A_122 : memref<256x128xi32, #tpu.memory_space<hbm>>) dst(%arg5 : memref<256x128xi32, #tpu.memory_space<vmem>>)
        tpu.yield
      }) : () -> ()
      %scan3A_12 = arith.constant 0 : i32
      %scan3A_13 = arith.constant 0 : i32
      %scan3A_14 = arith.constant 800 : i32
      %scan3A_15 = arith.addi %scan3A_13, %scan3A_14 : i32
      %scan3A_16 = arith.constant 1 : i32
      scf.for %scan3A_115 = %scan3A_13 to %scan3A_15 step %scan3A_16  : i32 {
        %mul3A_116 = arith.constant 16 : i32
        %mul3A_117 = arith.muli %scan3A_115, %mul3A_116 : i32
        %add3A_118 = vector.broadcast %mul3A_117 : i32 to vector<16xi32>
        %add3A_119 = arith.addi %iota3A, %add3A_118 : vector<16xi32>
        %jit3A = arith.constant 50 : i32
        %div3A = vector.broadcast %jit3A : i32 to vector<16xi32>
        %div3A_120 = arith.divsi %add3A_119, %div3A : vector<16xi32>
        %sign3A = arith.constant 0 : i32
        %sign3A_121 = vector.broadcast %sign3A : i32 to vector<16xi32>
        %sign3A_122 = arith.cmpi sgt, %add3A_119, %sign3A_121 : vector<16xi32>
        %sign3A_123 = arith.extui %sign3A_122 : vector<16xi1> to vector<16xi32>
        %sign3A_124 = arith.constant 0 : i32
        %sign3A_125 = vector.broadcast %sign3A_124 : i32 to vector<16xi32>
        %sign3A_126 = arith.cmpi slt, %add3A_119, %sign3A_125 : vector<16xi32>
        %sign3A_127 = arith.extui %sign3A_126 : vector<16xi1> to vector<16xi32>
        %sign3A_128 = arith.subi %sign3A_123, %sign3A_127 : vector<16xi32>
        %sign3A_129 = arith.constant 0 : i32
        %sign3A_130 = arith.cmpi sgt, %jit3A, %sign3A_129 : i32
        %sign3A_131 = arith.extui %sign3A_130 : i1 to i32
        %sign3A_132 = arith.constant 0 : i32
        %sign3A_133 = arith.cmpi slt, %jit3A, %sign3A_132 : i32
        %sign3A_134 = arith.extui %sign3A_133 : i1 to i32
        %sign3A_135 = arith.subi %sign3A_131, %sign3A_134 : i32
        %ne3A = vector.broadcast %sign3A_135 : i32 to vector<16xi32>
        %ne3A_136 = arith.cmpi ne, %sign3A_128, %ne3A : vector<16xi32>
        %rem3A = vector.broadcast %jit3A : i32 to vector<16xi32>
        %rem3A_137 = arith.remsi %add3A_119, %rem3A : vector<16xi32>
        %ne3A_138 = arith.constant 0 : i32
        %ne3A_139 = vector.broadcast %ne3A_138 : i32 to vector<16xi32>
        %ne3A_140 = arith.cmpi ne, %rem3A_137, %ne3A_139 : vector<16xi32>
        %and3A = arith.andi %ne3A_136, %ne3A_140 : vector<16xi1>
        %sub3A = arith.constant 1 : i32
        %sub3A_141 = vector.broadcast %sub3A : i32 to vector<16xi32>
        %sub3A_142 = arith.subi %div3A_120, %sub3A_141 : vector<16xi32>
        %select_n3A = arith.select %and3A, %sub3A_142, %div3A_120 : vector<16xi1>, vector<16xi32>
        %jit3A_143 = arith.constant 50 : i32
        %eq3A = arith.constant 0 : i32
        %eq3A_144 = arith.cmpi eq, %jit3A_143, %eq3A : i32
        %jit3A_145 = arith.constant 1 : i32
        %select_n3A_146 = arith.select %eq3A_144, %jit3A_145, %jit3A_143 : i32
        %rem3A_147 = vector.broadcast %select_n3A_146 : i32 to vector<16xi32>
        %rem3A_148 = arith.remsi %add3A_119, %rem3A_147 : vector<16xi32>
        %ne3A_149 = arith.constant 0 : i32
        %ne3A_150 = vector.broadcast %ne3A_149 : i32 to vector<16xi32>
        %ne3A_151 = arith.cmpi ne, %rem3A_148, %ne3A_150 : vector<16xi32>
        %lt3A = arith.constant 0 : i32
        %lt3A_152 = vector.broadcast %lt3A : i32 to vector<16xi32>
        %lt3A_153 = arith.cmpi slt, %rem3A_148, %lt3A_152 : vector<16xi32>
        %lt3A_154 = arith.constant 0 : i32
        %lt3A_155 = arith.cmpi slt, %select_n3A_146, %lt3A_154 : i32
        %ne3A_156 = vector.broadcast %lt3A_155 : i1 to vector<16xi1>
        %ne3A_157 = vector.broadcast %ne3A_156 : vector<16xi1> to vector<16xi1>
        %ne3A_158 = arith.xori %lt3A_153, %ne3A_157 : vector<16xi1>
        %and3A_159 = arith.andi %ne3A_158, %ne3A_151 : vector<16xi1>
        %add3A_160 = vector.broadcast %select_n3A_146 : i32 to vector<16xi32>
        %add3A_161 = arith.addi %rem3A_148, %add3A_160 : vector<16xi32>
        %select_n3A_162 = arith.select %and3A_159, %add3A_161, %rem3A_148 : vector<16xi1>, vector<16xi32>
        %gather3A = tpu.vector_load_idx %arg5[%select_n3A, %select_n3A_162] : memref<256x128xi32, #tpu.memory_space<vmem>>[vector<16xi32>, vector<16xi32>], vector<16xi32>,
        %mul3A_163 = arith.constant 16 : i32
        %mul3A_164 = arith.muli %scan3A_115, %mul3A_163 : i32
        %swap3A = arith.index_cast %mul3A_164 : i32 to index
        %swap3A_165 = tpu.vector_load %arg6[%swap3A] {strides = array<i32>} : memref<12800xi32, #tpu.memory_space<vmem>>, vector<16xi32>,
        tpu.vector_store %arg6[%swap3A], %gather3A {strides = array<i32>} : memref<12800xi32, #tpu.memory_space<vmem>>, vector<16xi32>,
      }
      %scan3A_17 = arith.constant 800 : i32
      %mul3A_18 = arith.constant 256 : i32
      %mul3A_19 = arith.muli %scan3A_8, %mul3A_18 : i32
      %add3A_20 = arith.addi %mul3A_2, %mul3A_19 : i32
      %mul3A_21 = arith.constant 50 : i32
      %mul3A_22 = arith.muli %add3A_20, %mul3A_21 : i32
      %dma_start3A = arith.constant 0 : i32
      %dma_start3A_23 = arith.constant 0 : i32
      %dma_start3A_24 = arith.constant 0 : i32
      %dma_start3A_25 = arith.constant 0 : i32
      %dma_start3A_26 = tpu.memref_slice %arg7[%dma_start3A, %dma_start3A_24, %dma_start3A_25] : memref<2x512x32xf32, #tpu.memory_space<vmem>> -> memref<1x128x32xf32, #tpu.memory_space<vmem>>
      %dma_start3A_27 = tpu.memref_squeeze %dma_start3A_26 : memref<1x128x32xf32, #tpu.memory_space<vmem>> -> memref<128x32xf32, #tpu.memory_space<vmem>>
      %dma_start3A_28 = arith.constant 0 : i32
      %dma_start3A_29 = tpu.memref_slice %arg6[%dma_start3A_28] : memref<12800xi32, #tpu.memory_space<vmem>> -> memref<128xi32, #tpu.memory_space<vmem>>
      %dma_start3A_30 = arith.constant 0 : i32
      %dma_start3A_31 = arith.constant 0 : i32
      %dma_start3A_32 = tpu.memref_slice %arg3[%dma_start3A_30, %dma_start3A_31] : memref<1000000x32xf32, #tpu.memory_space<hbm>> -> memref<1000000x32xf32, #tpu.memory_space<hbm>>
      %dma_start3A_33 = tpu.memref_slice %arg8[%dma_start3A_23] : memref<2x!tpu.dma_semaphore, #tpu.memory_space<semaphore_mem>> -> memref<1x!tpu.dma_semaphore, #tpu.memory_space<semaphore_mem>>
      %dma_start3A_34 = tpu.memref_squeeze %dma_start3A_33 : memref<1x!tpu.dma_semaphore, #tpu.memory_space<semaphore_mem>> -> memref<!tpu.dma_semaphore, #tpu.memory_space<semaphore_mem>>
      tpu.enqueue_indirect_dma source(%dma_start3A_32 : memref<1000000x32xf32, #tpu.memory_space<hbm>>) target(%dma_start3A_27 : memref<128x32xf32, #tpu.memory_space<vmem>>) offsets(%dma_start3A_29 : memref<128xi32, #tpu.memory_space<vmem>>) semaphore(%dma_start3A_34 : memref<!tpu.dma_semaphore, #tpu.memory_space<semaphore_mem>>)
      %dma_start3A_35 = arith.constant 0 : i32
      %dma_start3A_36 = arith.constant 0 : i32
      %dma_start3A_37 = arith.constant 128 : i32
      %dma_start3A_38 = arith.constant 0 : i32
      %dma_start3A_39 = tpu.memref_slice %arg7[%dma_start3A_35, %dma_start3A_37, %dma_start3A_38] : memref<2x512x32xf32, #tpu.memory_space<vmem>> -> memref<1x128x32xf32, #tpu.memory_space<vmem>>
      %dma_start3A_40 = tpu.memref_squeeze %dma_start3A_39 : memref<1x128x32xf32, #tpu.memory_space<vmem>> -> memref<128x32xf32, #tpu.memory_space<vmem>>
      %dma_start3A_41 = arith.constant 128 : i32
      %dma_start3A_42 = tpu.memref_slice %arg6[%dma_start3A_41] : memref<12800xi32, #tpu.memory_space<vmem>> -> memref<128xi32, #tpu.memory_space<vmem>>
      %dma_start3A_43 = arith.constant 0 : i32
      %dma_start3A_44 = arith.constant 0 : i32
      %dma_start3A_45 = tpu.memref_slice %arg3[%dma_start3A_43, %dma_start3A_44] : memref<1000000x32xf32, #tpu.memory_space<hbm>> -> memref<1000000x32xf32, #tpu.memory_space<hbm>>
      %dma_start3A_46 = tpu.memref_slice %arg8[%dma_start3A_36] : memref<2x!tpu.dma_semaphore, #tpu.memory_space<semaphore_mem>> -> memref<1x!tpu.dma_semaphore, #tpu.memory_space<semaphore_mem>>
      %dma_start3A_47 = tpu.memref_squeeze %dma_start3A_46 : memref<1x!tpu.dma_semaphore, #tpu.memory_space<semaphore_mem>> -> memref<!tpu.dma_semaphore, #tpu.memory_space<semaphore_mem>>
      tpu.enqueue_indirect_dma source(%dma_start3A_45 : memref<1000000x32xf32, #tpu.memory_space<hbm>>) target(%dma_start3A_40 : memref<128x32xf32, #tpu.memory_space<vmem>>) offsets(%dma_start3A_42 : memref<128xi32, #tpu.memory_space<vmem>>) semaphore(%dma_start3A_47 : memref<!tpu.dma_semaphore, #tpu.memory_space<semaphore_mem>>)
      %dma_start3A_48 = arith.constant 0 : i32
      %dma_start3A_49 = arith.constant 0 : i32
      %dma_start3A_50 = arith.constant 256 : i32
      %dma_start3A_51 = arith.constant 0 : i32
      %dma_start3A_52 = tpu.memref_slice %arg7[%dma_start3A_48, %dma_start3A_50, %dma_start3A_51] : memref<2x512x32xf32, #tpu.memory_space<vmem>> -> memref<1x128x32xf32, #tpu.memory_space<vmem>>
      %dma_start3A_53 = tpu.memref_squeeze %dma_start3A_52 : memref<1x128x32xf32, #tpu.memory_space<vmem>> -> memref<128x32xf32, #tpu.memory_space<vmem>>
      %dma_start3A_54 = arith.constant 256 : i32
      %dma_start3A_55 = tpu.memref_slice %arg6[%dma_start3A_54] : memref<12800xi32, #tpu.memory_space<vmem>> -> memref<128xi32, #tpu.memory_space<vmem>>
      %dma_start3A_56 = arith.constant 0 : i32
      %dma_start3A_57 = arith.constant 0 : i32
      %dma_start3A_58 = tpu.memref_slice %arg3[%dma_start3A_56, %dma_start3A_57] : memref<1000000x32xf32, #tpu.memory_space<hbm>> -> memref<1000000x32xf32, #tpu.memory_space<hbm>>
      %dma_start3A_59 = tpu.memref_slice %arg8[%dma_start3A_49] : memref<2x!tpu.dma_semaphore, #tpu.memory_space<semaphore_mem>> -> memref<1x!tpu.dma_semaphore, #tpu.memory_space<semaphore_mem>>
      %dma_start3A_60 = tpu.memref_squeeze %dma_start3A_59 : memref<1x!tpu.dma_semaphore, #tpu.memory_space<semaphore_mem>> -> memref<!tpu.dma_semaphore, #tpu.memory_space<semaphore_mem>>
      tpu.enqueue_indirect_dma source(%dma_start3A_58 : memref<1000000x32xf32, #tpu.memory_space<hbm>>) target(%dma_start3A_53 : memref<128x32xf32, #tpu.memory_space<vmem>>) offsets(%dma_start3A_55 : memref<128xi32, #tpu.memory_space<vmem>>) semaphore(%dma_start3A_60 : memref<!tpu.dma_semaphore, #tpu.memory_space<semaphore_mem>>)
      %dma_start3A_61 = arith.constant 0 : i32
      %dma_start3A_62 = arith.constant 0 : i32
      %dma_start3A_63 = arith.constant 384 : i32
      %dma_start3A_64 = arith.constant 0 : i32
      %dma_start3A_65 = tpu.memref_slice %arg7[%dma_start3A_61, %dma_start3A_63, %dma_start3A_64] : memref<2x512x32xf32, #tpu.memory_space<vmem>> -> memref<1x128x32xf32, #tpu.memory_space<vmem>>
      %dma_start3A_66 = tpu.memref_squeeze %dma_start3A_65 : memref<1x128x32xf32, #tpu.memory_space<vmem>> -> memref<128x32xf32, #tpu.memory_space<vmem>>
      %dma_start3A_67 = arith.constant 384 : i32
      %dma_start3A_68 = tpu.memref_slice %arg6[%dma_start3A_67] : memref<12800xi32, #tpu.memory_space<vmem>> -> memref<128xi32, #tpu.memory_space<vmem>>
      %dma_start3A_69 = arith.constant 0 : i32
      %dma_start3A_70 = arith.constant 0 : i32
      %dma_start3A_71 = tpu.memref_slice %arg3[%dma_start3A_69, %dma_start3A_70] : memref<1000000x32xf32, #tpu.memory_space<hbm>> -> memref<1000000x32xf32, #tpu.memory_space<hbm>>
      %dma_start3A_72 = tpu.memref_slice %arg8[%dma_start3A_62] : memref<2x!tpu.dma_semaphore, #tpu.memory_space<semaphore_mem>> -> memref<1x!tpu.dma_semaphore, #tpu.memory_space<semaphore_mem>>
      %dma_start3A_73 = tpu.memref_squeeze %dma_start3A_72 : memref<1x!tpu.dma_semaphore, #tpu.memory_space<semaphore_mem>> -> memref<!tpu.dma_semaphore, #tpu.memory_space<semaphore_mem>>
      tpu.enqueue_indirect_dma source(%dma_start3A_71 : memref<1000000x32xf32, #tpu.memory_space<hbm>>) target(%dma_start3A_66 : memref<128x32xf32, #tpu.memory_space<vmem>>) offsets(%dma_start3A_68 : memref<128xi32, #tpu.memory_space<vmem>>) semaphore(%dma_start3A_73 : memref<!tpu.dma_semaphore, #tpu.memory_space<semaphore_mem>>)
      %scan3A_74 = arith.constant 0 : i32
      %scan3A_75 = arith.constant 0 : i32
      %scan3A_76 = arith.constant 25 : i32
      %scan3A_77 = arith.addi %scan3A_75, %scan3A_76 : i32
      %scan3A_78 = arith.constant 1 : i32
      scf.for %scan3A_115 = %scan3A_75 to %scan3A_77 step %scan3A_78  : i32 {
        %jit3A = arith.constant 2 : i32
        %eq3A = arith.constant 0 : i32
        %eq3A_116 = arith.cmpi eq, %jit3A, %eq3A : i32
        %jit3A_117 = arith.constant 1 : i32
        %select_n3A = arith.select %eq3A_116, %jit3A_117, %jit3A : i32
        %rem3A = arith.remsi %scan3A_115, %select_n3A : i32
        %ne3A = arith.constant 0 : i32
        %ne3A_118 = arith.cmpi ne, %rem3A, %ne3A : i32
        %lt3A = arith.constant 0 : i32
        %lt3A_119 = arith.cmpi slt, %rem3A, %lt3A : i32
        %lt3A_120 = arith.constant 0 : i32
        %lt3A_121 = arith.cmpi slt, %select_n3A, %lt3A_120 : i32
        %ne3A_122 = arith.xori %lt3A_119, %lt3A_121 : i1
        %and3A = arith.andi %ne3A_122, %ne3A_118 : i1
        %add3A_123 = arith.addi %rem3A, %select_n3A : i32
        %select_n3A_124 = arith.select %and3A, %add3A_123, %rem3A : i32
        %mul3A_125 = arith.constant 512 : i32
        %mul3A_126 = arith.muli %scan3A_115, %mul3A_125 : i32
        %add3A_127 = arith.constant 0 : i32
        %add3A_128 = arith.addi %mul3A_126, %add3A_127 : i32
        %dma_wait3A_129 = arith.constant 0 : i32
        %dma_wait3A_130 = arith.constant 0 : i32
        %dma_wait3A_131 = tpu.memref_slice %arg7[%select_n3A_124, %dma_wait3A_129, %dma_wait3A_130] : memref<2x512x32xf32, #tpu.memory_space<vmem>> -> memref<1x128x32xf32, #tpu.memory_space<vmem>>
        %dma_wait3A_132 = tpu.memref_squeeze %dma_wait3A_131 : memref<1x128x32xf32, #tpu.memory_space<vmem>> -> memref<128x32xf32, #tpu.memory_space<vmem>>
        %dma_wait3A_133 = tpu.memref_slice %arg6[%add3A_128] : memref<12800xi32, #tpu.memory_space<vmem>> -> memref<128xi32, #tpu.memory_space<vmem>>
        %dma_wait3A_134 = arith.constant 0 : i32
        %dma_wait3A_135 = arith.constant 0 : i32
        %dma_wait3A_136 = tpu.memref_slice %arg3[%dma_wait3A_134, %dma_wait3A_135] : memref<1000000x32xf32, #tpu.memory_space<hbm>> -> memref<1000000x32xf32, #tpu.memory_space<hbm>>
        %dma_wait3A_137 = tpu.memref_slice %arg8[%select_n3A_124] : memref<2x!tpu.dma_semaphore, #tpu.memory_space<semaphore_mem>> -> memref<1x!tpu.dma_semaphore, #tpu.memory_space<semaphore_mem>>
        %dma_wait3A_138 = tpu.memref_squeeze %dma_wait3A_137 : memref<1x!tpu.dma_semaphore, #tpu.memory_space<semaphore_mem>> -> memref<!tpu.dma_semaphore, #tpu.memory_space<semaphore_mem>>
        tpu.wait_indirect_dma semaphore(%dma_wait3A_138 : memref<!tpu.dma_semaphore, #tpu.memory_space<semaphore_mem>>) src(%dma_wait3A_136 : memref<1000000x32xf32, #tpu.memory_space<hbm>>) dst(%dma_wait3A_132 : memref<128x32xf32, #tpu.memory_space<vmem>>)
        %mul3A_139 = arith.constant 512 : i32
        %mul3A_140 = arith.muli %scan3A_115, %mul3A_139 : i32
        %add3A_141 = arith.constant 128 : i32
        %add3A_142 = arith.addi %mul3A_140, %add3A_141 : i32
        %dma_wait3A_143 = arith.constant 128 : i32
        %dma_wait3A_144 = arith.constant 0 : i32
        %dma_wait3A_145 = tpu.memref_slice %arg7[%select_n3A_124, %dma_wait3A_143, %dma_wait3A_144] : memref<2x512x32xf32, #tpu.memory_space<vmem>> -> memref<1x128x32xf32, #tpu.memory_space<vmem>>
        %dma_wait3A_146 = tpu.memref_squeeze %dma_wait3A_145 : memref<1x128x32xf32, #tpu.memory_space<vmem>> -> memref<128x32xf32, #tpu.memory_space<vmem>>
        %dma_wait3A_147 = tpu.memref_slice %arg6[%add3A_142] : memref<12800xi32, #tpu.memory_space<vmem>> -> memref<128xi32, #tpu.memory_space<vmem>>
        %dma_wait3A_148 = arith.constant 0 : i32
        %dma_wait3A_149 = arith.constant 0 : i32
        %dma_wait3A_150 = tpu.memref_slice %arg3[%dma_wait3A_148, %dma_wait3A_149] : memref<1000000x32xf32, #tpu.memory_space<hbm>> -> memref<1000000x32xf32, #tpu.memory_space<hbm>>
        %dma_wait3A_151 = tpu.memref_slice %arg8[%select_n3A_124] : memref<2x!tpu.dma_semaphore, #tpu.memory_space<semaphore_mem>> -> memref<1x!tpu.dma_semaphore, #tpu.memory_space<semaphore_mem>>
        %dma_wait3A_152 = tpu.memref_squeeze %dma_wait3A_151 : memref<1x!tpu.dma_semaphore, #tpu.memory_space<semaphore_mem>> -> memref<!tpu.dma_semaphore, #tpu.memory_space<semaphore_mem>>
        tpu.wait_indirect_dma semaphore(%dma_wait3A_152 : memref<!tpu.dma_semaphore, #tpu.memory_space<semaphore_mem>>) src(%dma_wait3A_150 : memref<1000000x32xf32, #tpu.memory_space<hbm>>) dst(%dma_wait3A_146 : memref<128x32xf32, #tpu.memory_space<vmem>>)
        %mul3A_153 = arith.constant 512 : i32
        %mul3A_154 = arith.muli %scan3A_115, %mul3A_153 : i32
        %add3A_155 = arith.constant 256 : i32
        %add3A_156 = arith.addi %mul3A_154, %add3A_155 : i32
        %dma_wait3A_157 = arith.constant 256 : i32
        %dma_wait3A_158 = arith.constant 0 : i32
        %dma_wait3A_159 = tpu.memref_slice %arg7[%select_n3A_124, %dma_wait3A_157, %dma_wait3A_158] : memref<2x512x32xf32, #tpu.memory_space<vmem>> -> memref<1x128x32xf32, #tpu.memory_space<vmem>>
        %dma_wait3A_160 = tpu.memref_squeeze %dma_wait3A_159 : memref<1x128x32xf32, #tpu.memory_space<vmem>> -> memref<128x32xf32, #tpu.memory_space<vmem>>
        %dma_wait3A_161 = tpu.memref_slice %arg6[%add3A_156] : memref<12800xi32, #tpu.memory_space<vmem>> -> memref<128xi32, #tpu.memory_space<vmem>>
        %dma_wait3A_162 = arith.constant 0 : i32
        %dma_wait3A_163 = arith.constant 0 : i32
        %dma_wait3A_164 = tpu.memref_slice %arg3[%dma_wait3A_162, %dma_wait3A_163] : memref<1000000x32xf32, #tpu.memory_space<hbm>> -> memref<1000000x32xf32, #tpu.memory_space<hbm>>
        %dma_wait3A_165 = tpu.memref_slice %arg8[%select_n3A_124] : memref<2x!tpu.dma_semaphore, #tpu.memory_space<semaphore_mem>> -> memref<1x!tpu.dma_semaphore, #tpu.memory_space<semaphore_mem>>
        %dma_wait3A_166 = tpu.memref_squeeze %dma_wait3A_165 : memref<1x!tpu.dma_semaphore, #tpu.memory_space<semaphore_mem>> -> memref<!tpu.dma_semaphore, #tpu.memory_space<semaphore_mem>>
        tpu.wait_indirect_dma semaphore(%dma_wait3A_166 : memref<!tpu.dma_semaphore, #tpu.memory_space<semaphore_mem>>) src(%dma_wait3A_164 : memref<1000000x32xf32, #tpu.memory_space<hbm>>) dst(%dma_wait3A_160 : memref<128x32xf32, #tpu.memory_space<vmem>>)
        %mul3A_167 = arith.constant 512 : i32
        %mul3A_168 = arith.muli %scan3A_115, %mul3A_167 : i32
        %add3A_169 = arith.constant 384 : i32
        %add3A_170 = arith.addi %mul3A_168, %add3A_169 : i32
        %dma_wait3A_171 = arith.constant 384 : i32
        %dma_wait3A_172 = arith.constant 0 : i32
        %dma_wait3A_173 = tpu.memref_slice %arg7[%select_n3A_124, %dma_wait3A_171, %dma_wait3A_172] : memref<2x512x32xf32, #tpu.memory_space<vmem>> -> memref<1x128x32xf32, #tpu.memory_space<vmem>>
        %dma_wait3A_174 = tpu.memref_squeeze %dma_wait3A_173 : memref<1x128x32xf32, #tpu.memory_space<vmem>> -> memref<128x32xf32, #tpu.memory_space<vmem>>
        %dma_wait3A_175 = tpu.memref_slice %arg6[%add3A_170] : memref<12800xi32, #tpu.memory_space<vmem>> -> memref<128xi32, #tpu.memory_space<vmem>>
        %dma_wait3A_176 = arith.constant 0 : i32
        %dma_wait3A_177 = arith.constant 0 : i32
        %dma_wait3A_178 = tpu.memref_slice %arg3[%dma_wait3A_176, %dma_wait3A_177] : memref<1000000x32xf32, #tpu.memory_space<hbm>> -> memref<1000000x32xf32, #tpu.memory_space<hbm>>
        %dma_wait3A_179 = tpu.memref_slice %arg8[%select_n3A_124] : memref<2x!tpu.dma_semaphore, #tpu.memory_space<semaphore_mem>> -> memref<1x!tpu.dma_semaphore, #tpu.memory_space<semaphore_mem>>
        %dma_wait3A_180 = tpu.memref_squeeze %dma_wait3A_179 : memref<1x!tpu.dma_semaphore, #tpu.memory_space<semaphore_mem>> -> memref<!tpu.dma_semaphore, #tpu.memory_space<semaphore_mem>>
        tpu.wait_indirect_dma semaphore(%dma_wait3A_180 : memref<!tpu.dma_semaphore, #tpu.memory_space<semaphore_mem>>) src(%dma_wait3A_178 : memref<1000000x32xf32, #tpu.memory_space<hbm>>) dst(%dma_wait3A_174 : memref<128x32xf32, #tpu.memory_space<vmem>>)
        %mul3A_181 = arith.constant 512 : i32
        %mul3A_182 = arith.muli %scan3A_115, %mul3A_181 : i32
        %add3A_183 = arith.addi %mul3A_22, %mul3A_182 : i32
        %dma_start3A_184 = arith.constant 0 : i32
        %dma_start3A_185 = arith.constant 0 : i32
        %dma_start3A_186 = tpu.memref_slice %arg7[%select_n3A_124, %dma_start3A_184, %dma_start3A_185] : memref<2x512x32xf32, #tpu.memory_space<vmem>> -> memref<1x512x32xf32, #tpu.memory_space<vmem>>
        %dma_start3A_187 = tpu.memref_squeeze %dma_start3A_186 : memref<1x512x32xf32, #tpu.memory_space<vmem>> -> memref<512x32xf32, #tpu.memory_space<vmem>>
        %dma_start3A_188 = arith.constant 0 : i32
        %dma_start3A_189 = tpu.memref_slice %arg4[%add3A_183, %dma_start3A_188] : memref<819200x64xf32, #tpu.memory_space<hbm>> -> memref<512x32xf32, #tpu.memory_space<hbm>>
        %dma_start3A_190 = tpu.memref_slice %arg9[%select_n3A_124] : memref<2x!tpu.dma_semaphore, #tpu.memory_space<semaphore_mem>> -> memref<1x!tpu.dma_semaphore, #tpu.memory_space<semaphore_mem>>
        %dma_start3A_191 = tpu.memref_squeeze %dma_start3A_190 : memref<1x!tpu.dma_semaphore, #tpu.memory_space<semaphore_mem>> -> memref<!tpu.dma_semaphore, #tpu.memory_space<semaphore_mem>>
        %dma_start3A_192 = arith.constant 0 : i32
        %dma_start3A_193 = tpu.memref_slice %arg4[%add3A_183, %dma_start3A_192] : memref<819200x64xf32, #tpu.memory_space<hbm>> -> memref<512x32xf32, #tpu.memory_space<hbm>>
        %dma_start3A_194 = arith.constant 0 : i32
        %dma_start3A_195 = arith.constant 0 : i32
        %dma_start3A_196 = tpu.memref_slice %arg7[%select_n3A_124, %dma_start3A_194, %dma_start3A_195] : memref<2x512x32xf32, #tpu.memory_space<vmem>> -> memref<1x512x32xf32, #tpu.memory_space<vmem>>
        %dma_start3A_197 = tpu.memref_squeeze %dma_start3A_196 : memref<1x512x32xf32, #tpu.memory_space<vmem>> -> memref<512x32xf32, #tpu.memory_space<vmem>>
        tpu.enqueue_dma source(%dma_start3A_197 : memref<512x32xf32, #tpu.memory_space<vmem>>) target(%dma_start3A_193 : memref<512x32xf32, #tpu.memory_space<hbm>>) target_semaphore(%dma_start3A_191 : memref<!tpu.dma_semaphore, #tpu.memory_space<semaphore_mem>>)
        %add3A_198 = arith.constant 1 : i32
        %add3A_199 = arith.addi %scan3A_115, %add3A_198 : i32
        %jit3A_200 = arith.constant 2 : i32
        %eq3A_201 = arith.constant 0 : i32
        %eq3A_202 = arith.cmpi eq, %jit3A_200, %eq3A_201 : i32
        %jit3A_203 = arith.constant 1 : i32
        %select_n3A_204 = arith.select %eq3A_202, %jit3A_203, %jit3A_200 : i32
        %rem3A_205 = arith.remsi %add3A_199, %select_n3A_204 : i32
        %ne3A_206 = arith.constant 0 : i32
        %ne3A_207 = arith.cmpi ne, %rem3A_205, %ne3A_206 : i32
        %lt3A_208 = arith.constant 0 : i32
        %lt3A_209 = arith.cmpi slt, %rem3A_205, %lt3A_208 : i32
        %lt3A_210 = arith.constant 0 : i32
        %lt3A_211 = arith.cmpi slt, %select_n3A_204, %lt3A_210 : i32
        %ne3A_212 = arith.xori %lt3A_209, %lt3A_211 : i1
        %and3A_213 = arith.andi %ne3A_212, %ne3A_207 : i1
        %add3A_214 = arith.addi %rem3A_205, %select_n3A_204 : i32
        %select_n3A_215 = arith.select %and3A_213, %add3A_214, %rem3A_205 : i32
        %lt3A_216 = arith.constant 25 : i32
        %lt3A_217 = arith.cmpi slt, %add3A_199, %lt3A_216 : i32
        %ge3A = arith.constant 1 : i32
        %ge3A_218 = arith.cmpi sge, %scan3A_115, %ge3A : i32
        %and3A_219 = arith.andi %lt3A_217, %ge3A_218 : i1
        %convert_element_type3A = arith.extui %and3A_219 : i1 to i32
        %cond3A = arith.constant 0 : i32
        %cond3A_220 = arith.cmpi ne, %convert_element_type3A, %cond3A : i32
        scf.if %cond3A_220 {
          %dma_wait3A_226 = arith.constant 0 : i32
          %dma_wait3A_227 = arith.constant 0 : i32
          %dma_wait3A_228 = tpu.memref_slice %arg7[%select_n3A_215, %dma_wait3A_226, %dma_wait3A_227] : memref<2x512x32xf32, #tpu.memory_space<vmem>> -> memref<1x512x32xf32, #tpu.memory_space<vmem>>
          %dma_wait3A_229 = tpu.memref_squeeze %dma_wait3A_228 : memref<1x512x32xf32, #tpu.memory_space<vmem>> -> memref<512x32xf32, #tpu.memory_space<vmem>>
          %dma_wait3A_230 = arith.constant 0 : i32
          %dma_wait3A_231 = arith.constant 0 : i32
          %dma_wait3A_232 = tpu.memref_slice %arg4[%dma_wait3A_230, %dma_wait3A_231] : memref<819200x64xf32, #tpu.memory_space<hbm>> -> memref<512x32xf32, #tpu.memory_space<hbm>>
          %dma_wait3A_233 = tpu.memref_slice %arg9[%select_n3A_215] : memref<2x!tpu.dma_semaphore, #tpu.memory_space<semaphore_mem>> -> memref<1x!tpu.dma_semaphore, #tpu.memory_space<semaphore_mem>>
          %dma_wait3A_234 = tpu.memref_squeeze %dma_wait3A_233 : memref<1x!tpu.dma_semaphore, #tpu.memory_space<semaphore_mem>> -> memref<!tpu.dma_semaphore, #tpu.memory_space<semaphore_mem>>
          %dma_wait3A_235 = arith.constant 0 : i32
          %dma_wait3A_236 = arith.constant 0 : i32
          %dma_wait3A_237 = tpu.memref_slice %arg4[%dma_wait3A_235, %dma_wait3A_236] : memref<819200x64xf32, #tpu.memory_space<hbm>> -> memref<512x32xf32, #tpu.memory_space<hbm>>
          %dma_wait3A_238 = arith.constant 0 : i32
          %dma_wait3A_239 = arith.constant 0 : i32
          %dma_wait3A_240 = tpu.memref_slice %arg7[%select_n3A_215, %dma_wait3A_238, %dma_wait3A_239] : memref<2x512x32xf32, #tpu.memory_space<vmem>> -> memref<1x512x32xf32, #tpu.memory_space<vmem>>
          %dma_wait3A_241 = tpu.memref_squeeze %dma_wait3A_240 : memref<1x512x32xf32, #tpu.memory_space<vmem>> -> memref<512x32xf32, #tpu.memory_space<vmem>>
          tpu.wait_dma2 semaphore(%dma_wait3A_234 : memref<!tpu.dma_semaphore, #tpu.memory_space<semaphore_mem>>) src(%dma_wait3A_241 : memref<512x32xf32, #tpu.memory_space<vmem>>) dst(%dma_wait3A_237 : memref<512x32xf32, #tpu.memory_space<hbm>>)
        } else {
        }
        %lt3A_221 = arith.constant 25 : i32
        %lt3A_222 = arith.cmpi slt, %add3A_199, %lt3A_221 : i32
        %convert_element_type3A_223 = arith.extui %lt3A_222 : i1 to i32
        %cond3A_224 = arith.constant 0 : i32
        %cond3A_225 = arith.cmpi ne, %convert_element_type3A_223, %cond3A_224 : i32
        scf.if %cond3A_225 {
          %mul3A_226 = arith.constant 512 : i32
          %mul3A_227 = arith.muli %add3A_199, %mul3A_226 : i32
          %add3A_228 = arith.constant 0 : i32
          %add3A_229 = arith.addi %mul3A_227, %add3A_228 : i32
          %dma_start3A_230 = arith.constant 0 : i32
          %dma_start3A_231 = arith.constant 0 : i32
          %dma_start3A_232 = tpu.memref_slice %arg7[%select_n3A_215, %dma_start3A_230, %dma_start3A_231] : memref<2x512x32xf32, #tpu.memory_space<vmem>> -> memref<1x128x32xf32, #tpu.memory_space<vmem>>
          %dma_start3A_233 = tpu.memref_squeeze %dma_start3A_232 : memref<1x128x32xf32, #tpu.memory_space<vmem>> -> memref<128x32xf32, #tpu.memory_space<vmem>>
          %dma_start3A_234 = tpu.memref_slice %arg6[%add3A_229] : memref<12800xi32, #tpu.memory_space<vmem>> -> memref<128xi32, #tpu.memory_space<vmem>>
          %dma_start3A_235 = arith.constant 0 : i32
          %dma_start3A_236 = arith.constant 0 : i32
          %dma_start3A_237 = tpu.memref_slice %arg3[%dma_start3A_235, %dma_start3A_236] : memref<1000000x32xf32, #tpu.memory_space<hbm>> -> memref<1000000x32xf32, #tpu.memory_space<hbm>>
          %dma_start3A_238 = tpu.memref_slice %arg8[%select_n3A_215] : memref<2x!tpu.dma_semaphore, #tpu.memory_space<semaphore_mem>> -> memref<1x!tpu.dma_semaphore, #tpu.memory_space<semaphore_mem>>
          %dma_start3A_239 = tpu.memref_squeeze %dma_start3A_238 : memref<1x!tpu.dma_semaphore, #tpu.memory_space<semaphore_mem>> -> memref<!tpu.dma_semaphore, #tpu.memory_space<semaphore_mem>>
          tpu.enqueue_indirect_dma source(%dma_start3A_237 : memref<1000000x32xf32, #tpu.memory_space<hbm>>) target(%dma_start3A_233 : memref<128x32xf32, #tpu.memory_space<vmem>>) offsets(%dma_start3A_234 : memref<128xi32, #tpu.memory_space<vmem>>) semaphore(%dma_start3A_239 : memref<!tpu.dma_semaphore, #tpu.memory_space<semaphore_mem>>)
          %mul3A_240 = arith.constant 512 : i32
          %mul3A_241 = arith.muli %add3A_199, %mul3A_240 : i32
          %add3A_242 = arith.constant 128 : i32
          %add3A_243 = arith.addi %mul3A_241, %add3A_242 : i32
          %dma_start3A_244 = arith.constant 128 : i32
          %dma_start3A_245 = arith.constant 0 : i32
          %dma_start3A_246 = tpu.memref_slice %arg7[%select_n3A_215, %dma_start3A_244, %dma_start3A_245] : memref<2x512x32xf32, #tpu.memory_space<vmem>> -> memref<1x128x32xf32, #tpu.memory_space<vmem>>
          %dma_start3A_247 = tpu.memref_squeeze %dma_start3A_246 : memref<1x128x32xf32, #tpu.memory_space<vmem>> -> memref<128x32xf32, #tpu.memory_space<vmem>>
          %dma_start3A_248 = tpu.memref_slice %arg6[%add3A_243] : memref<12800xi32, #tpu.memory_space<vmem>> -> memref<128xi32, #tpu.memory_space<vmem>>
          %dma_start3A_249 = arith.constant 0 : i32
          %dma_start3A_250 = arith.constant 0 : i32
          %dma_start3A_251 = tpu.memref_slice %arg3[%dma_start3A_249, %dma_start3A_250] : memref<1000000x32xf32, #tpu.memory_space<hbm>> -> memref<1000000x32xf32, #tpu.memory_space<hbm>>
          %dma_start3A_252 = tpu.memref_slice %arg8[%select_n3A_215] : memref<2x!tpu.dma_semaphore, #tpu.memory_space<semaphore_mem>> -> memref<1x!tpu.dma_semaphore, #tpu.memory_space<semaphore_mem>>
          %dma_start3A_253 = tpu.memref_squeeze %dma_start3A_252 : memref<1x!tpu.dma_semaphore, #tpu.memory_space<semaphore_mem>> -> memref<!tpu.dma_semaphore, #tpu.memory_space<semaphore_mem>>
          tpu.enqueue_indirect_dma source(%dma_start3A_251 : memref<1000000x32xf32, #tpu.memory_space<hbm>>) target(%dma_start3A_247 : memref<128x32xf32, #tpu.memory_space<vmem>>) offsets(%dma_start3A_248 : memref<128xi32, #tpu.memory_space<vmem>>) semaphore(%dma_start3A_253 : memref<!tpu.dma_semaphore, #tpu.memory_space<semaphore_mem>>)
          %mul3A_254 = arith.constant 512 : i32
          %mul3A_255 = arith.muli %add3A_199, %mul3A_254 : i32
          %add3A_256 = arith.constant 256 : i32
          %add3A_257 = arith.addi %mul3A_255, %add3A_256 : i32
          %dma_start3A_258 = arith.constant 256 : i32
          %dma_start3A_259 = arith.constant 0 : i32
          %dma_start3A_260 = tpu.memref_slice %arg7[%select_n3A_215, %dma_start3A_258, %dma_start3A_259] : memref<2x512x32xf32, #tpu.memory_space<vmem>> -> memref<1x128x32xf32, #tpu.memory_space<vmem>>
          %dma_start3A_261 = tpu.memref_squeeze %dma_start3A_260 : memref<1x128x32xf32, #tpu.memory_space<vmem>> -> memref<128x32xf32, #tpu.memory_space<vmem>>
          %dma_start3A_262 = tpu.memref_slice %arg6[%add3A_257] : memref<12800xi32, #tpu.memory_space<vmem>> -> memref<128xi32, #tpu.memory_space<vmem>>
          %dma_start3A_263 = arith.constant 0 : i32
          %dma_start3A_264 = arith.constant 0 : i32
          %dma_start3A_265 = tpu.memref_slice %arg3[%dma_start3A_263, %dma_start3A_264] : memref<1000000x32xf32, #tpu.memory_space<hbm>> -> memref<1000000x32xf32, #tpu.memory_space<hbm>>
          %dma_start3A_266 = tpu.memref_slice %arg8[%select_n3A_215] : memref<2x!tpu.dma_semaphore, #tpu.memory_space<semaphore_mem>> -> memref<1x!tpu.dma_semaphore, #tpu.memory_space<semaphore_mem>>
          %dma_start3A_267 = tpu.memref_squeeze %dma_start3A_266 : memref<1x!tpu.dma_semaphore, #tpu.memory_space<semaphore_mem>> -> memref<!tpu.dma_semaphore, #tpu.memory_space<semaphore_mem>>
          tpu.enqueue_indirect_dma source(%dma_start3A_265 : memref<1000000x32xf32, #tpu.memory_space<hbm>>) target(%dma_start3A_261 : memref<128x32xf32, #tpu.memory_space<vmem>>) offsets(%dma_start3A_262 : memref<128xi32, #tpu.memory_space<vmem>>) semaphore(%dma_start3A_267 : memref<!tpu.dma_semaphore, #tpu.memory_space<semaphore_mem>>)
          %mul3A_268 = arith.constant 512 : i32
          %mul3A_269 = arith.muli %add3A_199, %mul3A_268 : i32
          %add3A_270 = arith.constant 384 : i32
          %add3A_271 = arith.addi %mul3A_269, %add3A_270 : i32
          %dma_start3A_272 = arith.constant 384 : i32
          %dma_start3A_273 = arith.constant 0 : i32
          %dma_start3A_274 = tpu.memref_slice %arg7[%select_n3A_215, %dma_start3A_272, %dma_start3A_273] : memref<2x512x32xf32, #tpu.memory_space<vmem>> -> memref<1x128x32xf32, #tpu.memory_space<vmem>>
          %dma_start3A_275 = tpu.memref_squeeze %dma_start3A_274 : memref<1x128x32xf32, #tpu.memory_space<vmem>> -> memref<128x32xf32, #tpu.memory_space<vmem>>
          %dma_start3A_276 = tpu.memref_slice %arg6[%add3A_271] : memref<12800xi32, #tpu.memory_space<vmem>> -> memref<128xi32, #tpu.memory_space<vmem>>
          %dma_start3A_277 = arith.constant 0 : i32
          %dma_start3A_278 = arith.constant 0 : i32
          %dma_start3A_279 = tpu.memref_slice %arg3[%dma_start3A_277, %dma_start3A_278] : memref<1000000x32xf32, #tpu.memory_space<hbm>> -> memref<1000000x32xf32, #tpu.memory_space<hbm>>
          %dma_start3A_280 = tpu.memref_slice %arg8[%select_n3A_215] : memref<2x!tpu.dma_semaphore, #tpu.memory_space<semaphore_mem>> -> memref<1x!tpu.dma_semaphore, #tpu.memory_space<semaphore_mem>>
          %dma_start3A_281 = tpu.memref_squeeze %dma_start3A_280 : memref<1x!tpu.dma_semaphore, #tpu.memory_space<semaphore_mem>> -> memref<!tpu.dma_semaphore, #tpu.memory_space<semaphore_mem>>
          tpu.enqueue_indirect_dma source(%dma_start3A_279 : memref<1000000x32xf32, #tpu.memory_space<hbm>>) target(%dma_start3A_275 : memref<128x32xf32, #tpu.memory_space<vmem>>) offsets(%dma_start3A_276 : memref<128xi32, #tpu.memory_space<vmem>>) semaphore(%dma_start3A_281 : memref<!tpu.dma_semaphore, #tpu.memory_space<semaphore_mem>>)
        } else {
        }
      }
      %scan3A_79 = arith.constant 25 : i32
      %dma_wait3A = arith.constant 1 : i32
      %dma_wait3A_80 = arith.constant 1 : i32
      %dma_wait3A_81 = arith.constant 0 : i32
      %dma_wait3A_82 = arith.constant 0 : i32
      %dma_wait3A_83 = tpu.memref_slice %arg7[%dma_wait3A, %dma_wait3A_81, %dma_wait3A_82] : memref<2x512x32xf32, #tpu.memory_space<vmem>> -> memref<1x512x32xf32, #tpu.memory_space<vmem>>
      %dma_wait3A_84 = tpu.memref_squeeze %dma_wait3A_83 : memref<1x512x32xf32, #tpu.memory_space<vmem>> -> memref<512x32xf32, #tpu.memory_space<vmem>>
      %dma_wait3A_85 = arith.constant 0 : i32
      %dma_wait3A_86 = arith.constant 0 : i32
      %dma_wait3A_87 = tpu.memref_slice %arg4[%dma_wait3A_85, %dma_wait3A_86] : memref<819200x64xf32, #tpu.memory_space<hbm>> -> memref<512x32xf32, #tpu.memory_space<hbm>>
      %dma_wait3A_88 = tpu.memref_slice %arg9[%dma_wait3A_80] : memref<2x!tpu.dma_semaphore, #tpu.memory_space<semaphore_mem>> -> memref<1x!tpu.dma_semaphore, #tpu.memory_space<semaphore_mem>>
      %dma_wait3A_89 = tpu.memref_squeeze %dma_wait3A_88 : memref<1x!tpu.dma_semaphore, #tpu.memory_space<semaphore_mem>> -> memref<!tpu.dma_semaphore, #tpu.memory_space<semaphore_mem>>
      %dma_wait3A_90 = arith.constant 0 : i32
      %dma_wait3A_91 = arith.constant 0 : i32
      %dma_wait3A_92 = tpu.memref_slice %arg4[%dma_wait3A_90, %dma_wait3A_91] : memref<819200x64xf32, #tpu.memory_space<hbm>> -> memref<512x32xf32, #tpu.memory_space<hbm>>
      %dma_wait3A_93 = arith.constant 0 : i32
      %dma_wait3A_94 = arith.constant 0 : i32
      %dma_wait3A_95 = tpu.memref_slice %arg7[%dma_wait3A, %dma_wait3A_93, %dma_wait3A_94] : memref<2x512x32xf32, #tpu.memory_space<vmem>> -> memref<1x512x32xf32, #tpu.memory_space<vmem>>
      %dma_wait3A_96 = tpu.memref_squeeze %dma_wait3A_95 : memref<1x512x32xf32, #tpu.memory_space<vmem>> -> memref<512x32xf32, #tpu.memory_space<vmem>>
      tpu.wait_dma2 semaphore(%dma_wait3A_89 : memref<!tpu.dma_semaphore, #tpu.memory_space<semaphore_mem>>) src(%dma_wait3A_96 : memref<512x32xf32, #tpu.memory_space<vmem>>) dst(%dma_wait3A_92 : memref<512x32xf32, #tpu.memory_space<hbm>>)
      %dma_wait3A_97 = arith.constant 0 : i32
      %dma_wait3A_98 = arith.constant 0 : i32
      %dma_wait3A_99 = arith.constant 0 : i32
      %dma_wait3A_100 = arith.constant 0 : i32
      %dma_wait3A_101 = tpu.memref_slice %arg7[%dma_wait3A_97, %dma_wait3A_99, %dma_wait3A_100] : memref<2x512x32xf32, #tpu.memory_space<vmem>> -> memref<1x512x32xf32, #tpu.memory_space<vmem>>
      %dma_wait3A_102 = tpu.memref_squeeze %dma_wait3A_101 : memref<1x512x32xf32, #tpu.memory_space<vmem>> -> memref<512x32xf32, #tpu.memory_space<vmem>>
      %dma_wait3A_103 = arith.constant 0 : i32
      %dma_wait3A_104 = arith.constant 0 : i32
      %dma_wait3A_105 = tpu.memref_slice %arg4[%dma_wait3A_103, %dma_wait3A_104] : memref<819200x64xf32, #tpu.memory_space<hbm>> -> memref<512x32xf32, #tpu.memory_space<hbm>>
      %dma_wait3A_106 = tpu.memref_slice %arg9[%dma_wait3A_98] : memref<2x!tpu.dma_semaphore, #tpu.memory_space<semaphore_mem>> -> memref<1x!tpu.dma_semaphore, #tpu.memory_space<semaphore_mem>>
      %dma_wait3A_107 = tpu.memref_squeeze %dma_wait3A_106 : memref<1x!tpu.dma_semaphore, #tpu.memory_space<semaphore_mem>> -> memref<!tpu.dma_semaphore, #tpu.memory_space<semaphore_mem>>
      %dma_wait3A_108 = arith.constant 0 : i32
      %dma_wait3A_109 = arith.constant 0 : i32
      %dma_wait3A_110 = tpu.memref_slice %arg4[%dma_wait3A_108, %dma_wait3A_109] : memref<819200x64xf32, #tpu.memory_space<hbm>> -> memref<512x32xf32, #tpu.memory_space<hbm>>
      %dma_wait3A_111 = arith.constant 0 : i32
      %dma_wait3A_112 = arith.constant 0 : i32
      %dma_wait3A_113 = tpu.memref_slice %arg7[%dma_wait3A_97, %dma_wait3A_111, %dma_wait3A_112] : memref<2x512x32xf32, #tpu.memory_space<vmem>> -> memref<1x512x32xf32, #tpu.memory_space<vmem>>
      %dma_wait3A_114 = tpu.memref_squeeze %dma_wait3A_113 : memref<1x512x32xf32, #tpu.memory_space<vmem>> -> memref<512x32xf32, #tpu.memory_space<vmem>>
      tpu.wait_dma2 semaphore(%dma_wait3A_107 : memref<!tpu.dma_semaphore, #tpu.memory_space<semaphore_mem>>) src(%dma_wait3A_114 : memref<512x32xf32, #tpu.memory_space<vmem>>) dst(%dma_wait3A_110 : memref<512x32xf32, #tpu.memory_space<hbm>>)
    }
    %scan3A_7 = arith.constant 2 : i32
    return
  }
}

module attributes {stable_mosaic.version = 14 : i64} {
  func.func @body(%arg0: i32, %arg1: memref<50x4096xi32, #tpu.memory_space<vmem>>, %arg2: memref<4096x128xi32, #tpu.memory_space<vmem>>) attributes {dimension_semantics = [#tpu.dimension_semantics<arbitrary>], iteration_bounds = array<i64: 4>, scalar_prefetch = 0 : i64, scratch_operands = 0 : i64, tpu.core_type = #tpu.core_type<tc>, window_params = [{transform_indices = @transform_0, window_bounds = array<i64: 50, 4096>}, {transform_indices = @transform_1, window_bounds = array<i64: 4096, 128>}]} {
    %get3A = arith.constant 0 : index
    %get3A_0 = arith.constant 0 : index
    %get3A_1 = vector.load %arg1[%get3A, %get3A_0] : memref<50x4096xi32, #tpu.memory_space<vmem>>, vector<50x4096xi32>
    %transpose3A = tpu.transpose %get3A_1, [1, 0] : vector<50x4096xi32> -> vector<4096x50xi32>
    %swap3A = arith.constant 0 : index
    %swap3A_2 = arith.constant 0 : index
    %swap3A_3 = vector.load %arg2[%swap3A, %swap3A_2] : memref<4096x128xi32, #tpu.memory_space<vmem>>, vector<4096x50xi32>
    tpu.vector_store %arg2[%swap3A, %swap3A_2], %transpose3A {strides = array<i32>} : memref<4096x128xi32, #tpu.memory_space<vmem>>, vector<4096x50xi32>,
    return
  }
  func.func @transform_0(%arg0: i32) -> (i32, i32) {
    %c0_i32 = arith.constant 0 : i32
    %c0_i32_0 = arith.constant 0 : i32
    return %c0_i32, %arg0 : i32, i32
  }
  func.func @transform_1(%arg0: i32) -> (i32, i32) {
    %c0_i32 = arith.constant 0 : i32
    %c0_i32_0 = arith.constant 0 : i32
    return %arg0, %c0_i32 : i32, i32
  }
}

module attributes {stable_mosaic.version = 14 : i64} {
  func.func @body(%arg0: i32, %arg1: memref<12800x128xf32, #tpu.memory_space<vmem>>, %arg2: memref<50x32x512xf32, #tpu.memory_space<vmem>>) attributes {dimension_semantics = [#tpu.dimension_semantics<arbitrary>], iteration_bounds = array<i64: 32>, scalar_prefetch = 0 : i64, scratch_operands = 0 : i64, tpu.core_type = #tpu.core_type<tc>, window_params = [{transform_indices = @transform_0, window_bounds = array<i64: 12800, 128>}, {transform_indices = @transform_1, window_bounds = array<i64: 50, 32, 512>}]} {
    %get3A = arith.constant 0 : index
    %get3A_0 = arith.constant 0 : index
    %get3A_1 = vector.load %arg1[%get3A, %get3A_0] : memref<12800x128xf32, #tpu.memory_space<vmem>>, vector<12800x128xf32>
    %reshape3A = vector.shape_cast %get3A_1 : vector<12800x128xf32> to vector<512x3200xf32>
    %transpose3A = tpu.transpose %reshape3A, [1, 0] : vector<512x3200xf32> -> vector<3200x512xf32>
    %reshape3A_2 = vector.shape_cast %transpose3A : vector<3200x512xf32> to vector<50x64x512xf32>
    %slice3A = vector.extract_strided_slice %reshape3A_2 {offsets = [0, 0, 0], sizes = [50, 32, 512], strides = [1, 1, 1]} : vector<50x64x512xf32> to vector<50x32x512xf32>
    %swap3A = arith.constant 0 : index
    %swap3A_3 = arith.constant 0 : index
    %swap3A_4 = arith.constant 0 : index
    %swap3A_5 = vector.load %arg2[%swap3A, %swap3A_3, %swap3A_4] : memref<50x32x512xf32, #tpu.memory_space<vmem>>, vector<50x32x512xf32>
    tpu.vector_store %arg2[%swap3A, %swap3A_3, %swap3A_4], %slice3A {strides = array<i32>} : memref<50x32x512xf32, #tpu.memory_space<vmem>>, vector<50x32x512xf32>,
    return
  }
  func.func @transform_0(%arg0: i32) -> (i32, i32) {
    %c0_i32 = arith.constant 0 : i32
    %c0_i32_0 = arith.constant 0 : i32
    return %arg0, %c0_i32 : i32, i32
  }
  func.func @transform_1(%arg0: i32) -> (i32, i32, i32) {
    %c0_i32 = arith.constant 0 : i32
    %c0_i32_0 = arith.constant 0 : i32
    %c0_i32_1 = arith.constant 0 : i32
    return %c0_i32, %c0_i32_0, %arg0 : i32, i32, i32
  }
}

module attributes {stable_mosaic.version = 14 : i64} {
  func.func @body(%arg0: i32, %arg1: memref<32x16384xf32, #tpu.memory_space<vmem>>, %arg2: memref<4096x128xf32, #tpu.memory_space<vmem>>) attributes {dimension_semantics = [#tpu.dimension_semantics<arbitrary>], iteration_bounds = array<i64: 62>, scalar_prefetch = 0 : i64, scratch_operands = 0 : i64, tpu.core_type = #tpu.core_type<tc>, window_params = [{transform_indices = @transform_0, window_bounds = array<i64: 32, 16384>}, {transform_indices = @transform_1, window_bounds = array<i64: 4096, 128>}]} {
    %get3A = arith.constant 0 : index
    %get3A_0 = arith.constant 0 : index
    %get3A_1 = vector.load %arg1[%get3A, %get3A_0] : memref<32x16384xf32, #tpu.memory_space<vmem>>, vector<32x16384xf32>
    %transpose3A = tpu.transpose %get3A_1, [1, 0] : vector<32x16384xf32> -> vector<16384x32xf32>
    %reshape3A = vector.shape_cast %transpose3A : vector<16384x32xf32> to vector<4096x4x32xf32>
    %slice3A = vector.extract_strided_slice %reshape3A {offsets = [0, 0, 0], sizes = [4096, 1, 32], strides = [1, 1, 1]} : vector<4096x4x32xf32> to vector<4096x1x32xf32>
    %squeeze3A = vector.shape_cast %slice3A : vector<4096x1x32xf32> to vector<4096x32xf32>
    %swap3A = arith.constant 0 : index
    %swap3A_2 = arith.constant 0 : index
    %swap3A_3 = vector.load %arg2[%swap3A, %swap3A_2] : memref<4096x128xf32, #tpu.memory_space<vmem>>, vector<4096x32xf32>
    tpu.vector_store %arg2[%swap3A, %swap3A_2], %squeeze3A {strides = array<i32>} : memref<4096x128xf32, #tpu.memory_space<vmem>>, vector<4096x32xf32>,
    %slice3A_4 = vector.extract_strided_slice %reshape3A {offsets = [0, 1, 0], sizes = [4096, 1, 32], strides = [1, 1, 1]} : vector<4096x4x32xf32> to vector<4096x1x32xf32>
    %squeeze3A_5 = vector.shape_cast %slice3A_4 : vector<4096x1x32xf32> to vector<4096x32xf32>
    %swap3A_6 = arith.constant 0 : index
    %swap3A_7 = arith.constant 32 : index
    %swap3A_8 = vector.load %arg2[%swap3A_6, %swap3A_7] : memref<4096x128xf32, #tpu.memory_space<vmem>>, vector<4096x32xf32>
    tpu.vector_store %arg2[%swap3A_6, %swap3A_7], %squeeze3A_5 {strides = array<i32>} : memref<4096x128xf32, #tpu.memory_space<vmem>>, vector<4096x32xf32>,
    %slice3A_9 = vector.extract_strided_slice %reshape3A {offsets = [0, 2, 0], sizes = [4096, 1, 32], strides = [1, 1, 1]} : vector<4096x4x32xf32> to vector<4096x1x32xf32>
    %squeeze3A_10 = vector.shape_cast %slice3A_9 : vector<4096x1x32xf32> to vector<4096x32xf32>
    %swap3A_11 = arith.constant 0 : index
    %swap3A_12 = arith.constant 64 : index
    %swap3A_13 = vector.load %arg2[%swap3A_11, %swap3A_12] : memref<4096x128xf32, #tpu.memory_space<vmem>>, vector<4096x32xf32>
    tpu.vector_store %arg2[%swap3A_11, %swap3A_12], %squeeze3A_10 {strides = array<i32>} : memref<4096x128xf32, #tpu.memory_space<vmem>>, vector<4096x32xf32>,
    %slice3A_14 = vector.extract_strided_slice %reshape3A {offsets = [0, 3, 0], sizes = [4096, 1, 32], strides = [1, 1, 1]} : vector<4096x4x32xf32> to vector<4096x1x32xf32>
    %squeeze3A_15 = vector.shape_cast %slice3A_14 : vector<4096x1x32xf32> to vector<4096x32xf32>
    %swap3A_16 = arith.constant 0 : index
    %swap3A_17 = arith.constant 96 : index
    %swap3A_18 = vector.load %arg2[%swap3A_16, %swap3A_17] : memref<4096x128xf32, #tpu.memory_space<vmem>>, vector<4096x32xf32>
    tpu.vector_store %arg2[%swap3A_16, %swap3A_17], %squeeze3A_15 {strides = array<i32>} : memref<4096x128xf32, #tpu.memory_space<vmem>>, vector<4096x32xf32>,
    return
  }
  func.func @transform_0(%arg0: i32) -> (i32, i32) {
    %c0_i32 = arith.constant 0 : i32
    %c0_i32_0 = arith.constant 0 : i32
    return %c0_i32, %arg0 : i32, i32
  }
  func.func @transform_1(%arg0: i32) -> (i32, i32) {
    %c0_i32 = arith.constant 0 : i32
    %c0_i32_0 = arith.constant 0 : i32
    return %arg0, %c0_i32 : i32, i32
  }
}

</mosaic_0001>

<sc_bundles>
// kernel: kernel.6.cloned.1.call-start
scs
__scs_entry_jumppad:
0x0: {  	(pc) =	sbr.rel $0x88, $3  }
0x1: {  	(tag) =	ssettag $0x0;
	lr =	simm.s32 $0x1  }
0x2: {  	[smem:$0x3F9F] =	sst lr;
	_ =	strace $0xD0000000  }
0x3: {  	_ = 	snop  }
0x4: {  	_ = 	snop  }
0x5: {  	_ = 	snop  }
0x6: {  	_ = 	snop  }
0x7: {  	_ = 	snop  }
__scs_overlays_trampoline_lowered:
0x8: {  	[smem:$0x3FAE] =	sst s0  }
0x9: {  	[smem:$0x3FAF] =	sst s1  }
0xa: {  	[smem:$0x3FB0] =	sst s2  }
0xb: {  	[smem:$0x3FB1] =	sst s3  }
0xc: {  	[smem:$0x3FB2] =	sst s4  }
0xd: {  	[smem:$0x3FB3] =	sst s5  }
0xe: {  	[smem:$0x3FB4] =	sst s6  }
0xf: {  	[smem:$0x3FB5] =	sst s7  }
0x10: {  	[smem:$0x3FB6] =	sst s8  }
0x11: {  	[smem:$0x3FB7] =	sst s9;
	s0 =	simm.s32 @!p0 $0x0  }
0x12: {  	s1 =	sld [smem:$0x3F9D];
	s0 =	simm.s32 @p0 $0x1  }
0x13: {  	[smem:$0x3FB8] =	sst s0;
	s0 =	simm.s32 @!p1 $0x0  }
0x14: {  	s2 =	sld [smem:$0x3F9C];
	s0 =	simm.s32 @p1 $0x1  }
0x15: {  	[smem:$0x3FB9] =	sst s0;
	s0 =	simm.s32 @!p2 $0x0  }
0x16: {  	s3 =	sld [smem:$0x3FDB];
	s0 =	simm.s32 @p2 $0x1  }
0x17: {  	s4 =	simm.s32 $0x1BF5;
	[smem:$0x3FBB] =	sst s0  }
0x18: {  	s0 =	sld [smem:$0x3F9E];
	_ =	swait.ge [sflag:s4], $0x0  }
0x19: {  	s7 =	sld [smem:$0x3F9F]  }
0x1a: {  	s8 =	sadd.s32 $0xFFFFE003, lr  }
0x1b: {  	s9 =	sadd.s32 $0xFFFFFEF7, lr;
	s5 =	simm.s32 $0xFFFFFFFF;
	p2 =	slt.u32 s8, $0xFFFFF086  }
0x1c: {  	p1 =	slt.u32 s9, $0xF7A;
	s5 =	simm.s32 @!p2 $0x0  }
0x1d: {  	s5 =	simm.s32 @p1 $0x1;
	p0 =	seq.s32 s7, s2  }
0x1e: {  	s7 =	smul.u32 @!p0 $0xF7A, s2;
	p2 =	seq.s32 @!p0 s5, $0x0  }
0x1f: {  	s9 =	smul.u32 $0xF7A, s1;
	s8 =	simm.s32 @!p0 $0x1BF5;
	p2 =	por !p2, p0  }
0x20: {  	[sflag:s8] =	ssyncset.s32 @!p0 $0xFFFFF086;
	s6 =	sadd.s32 @!p0 s3, s7;
	s7 =	simm.s32 @!p0 $0x108  }
0x21: {  	s3 =	sadd.s32 s3, s9;
	s6 =	sadd.s32 @!p0 $0x88, s6;
	s7 =	simm.s32 @p2 $0x1082  }
0x22: {  	[simem:s7], [sflag:s8] =	dma.local @!p0 [hbm:s6], $0xF7A  }
0x23: {  	s9 =	sor.u32 $0xD0000000, s2;
	s6 =	simm.s32 $0x108;
	_ =	swait.ge @!p0 [sflag:s8], $0x0  }
0x24: {  	s3 =	sadd.s32 $0x88, s3;
	s6 =	simm.s32 @!p1 $0x1082;
	[sflag:s4] =	ssyncset.s32 $0xFFFFF086  }
0x25: {  	[simem:s6], [sflag:s4] =	dma.local [hbm:s3], $0xF7A  }
0x26: {  	[smem:$0x3F9F] =	sst s1;
	(tag) =	ssettag s2;
	_ =	strace s9  }
0x27: {  	s1 =	sld [smem:$0x3FAF]  }
0x28: {  	s2 =	sld [smem:$0x3FB0]  }
0x29: {  	s4 =	sld [smem:$0x3FB2]  }
0x2a: {  	p0 =	seq.s32 s5, $0x0;
	s5 =	sld [smem:$0x3FB3]  }
0x2b: {  	s6 =	sld [smem:$0x3FB4]  }
0x2c: {  	s7 =	sld [smem:$0x3FB5]  }
0x2d: {  	s3 =	simm.s32 $0x108;
	s8 =	sld [smem:$0x3FB6]  }
0x2e: {  	s3 =	simm.s32 @!p0 $0x1082;
	s9 =	sld [smem:$0x3FB7]  }
0x2f: {  	lr =	sadd.s32 s0, s3;
	s0 =	sld [smem:$0x3FAE]  }
0x30: {  	s3 =	sld [smem:$0x3FB1]  }
0x31: {  	[smem:$0x3FBA] =	sst s10  }
0x32: {  	s10 =	sld [smem:$0x3FB8];
	_ =	sdelay $0x3  }
0x33: {  	p0 =	seq.s32 s10, $0x1;
	s10 =	sld [smem:$0x3FBA];
	_ =	sdelay $0x3  }
0x34: {  	[smem:$0x3FBA] =	sst s10  }
0x35: {  	s10 =	sld [smem:$0x3FB9];
	_ =	sdelay $0x3  }
0x36: {  	p1 =	seq.s32 s10, $0x1;
	s10 =	sld [smem:$0x3FBA];
	_ =	sdelay $0x3  }
0x37: {  	[smem:$0x3FBA] =	sst s10  }
0x38: {  	s10 =	sld [smem:$0x3FBB]  }
0x39: {  	_ = 	snop;
	(pc) =	sbr.ind lr, $3  }
0x3a: {  	_ = 	snop  }
0x3b: {  	_ = 	snop  }
0x3c: {  	p2 =	seq.s32 s10, $0x1;
	s10 =	sld [smem:$0x3FBA]  }
0x3d: {  	_ =	shalt  }
0x3e: {  	_ =	shalt  }
0x3f: {  	_ =	shalt  }
0x40: {  	_ =	shalt  }
0x41: {  	_ =	shalt  }
0x42: {  	_ =	shalt  }
0x43: {  	_ =	shalt  }
0x44: {  	_ =	shalt  }
0x45: {  	_ =	shalt  }
0x46: {  	_ =	shalt  }
0x47: {  	_ =	shalt  }
0x48: {  	_ =	shalt  }
0x49: {  	_ =	shalt  }
0x4a: {  	_ =	shalt  }
0x4b: {  	_ =	shalt  }
0x4c: {  	_ =	shalt  }
0x4d: {  	_ =	shalt  }
0x4e: {  	_ =	shalt  }
0x4f: {  	_ =	shalt  }
0x50: {  	_ =	shalt  }
0x51: {  	_ =	shalt  }
0x52: {  	_ =	shalt  }
0x53: {  	_ =	shalt  }
0x54: {  	_ =	shalt  }
0x55: {  	_ =	shalt  }
0x56: {  	_ =	shalt  }
0x57: {  	_ =	shalt  }
0x58: {  	_ =	shalt  }
0x59: {  	_ =	shalt  }
0x5a: {  	_ =	shalt  }
0x5b: {  	_ =	shalt  }
0x5c: {  	_ =	shalt  }
0x5d: {  	_ =	shalt  }
0x5e: {  	_ =	shalt  }
0x5f: {  	_ =	shalt  }
0x60: {  	_ =	shalt  }
0x61: {  	_ =	shalt  }
0x62: {  	_ =	shalt  }
0x63: {  	_ =	shalt  }
0x64: {  	_ =	shalt  }
0x65: {  	_ =	shalt  }
0x66: {  	_ =	shalt  }
0x67: {  	_ =	shalt  }
0x68: {  	_ =	shalt  }
0x69: {  	_ =	shalt  }
0x6a: {  	_ =	shalt  }
0x6b: {  	_ =	shalt  }
0x6c: {  	_ =	shalt  }
0x6d: {  	_ =	shalt  }
0x6e: {  	_ =	shalt  }
0x6f: {  	_ =	shalt  }
0x70: {  	_ =	shalt  }
0x71: {  	_ =	shalt  }
0x72: {  	_ =	shalt  }
0x73: {  	_ =	shalt  }
0x74: {  	_ =	shalt  }
0x75: {  	_ =	shalt  }
0x76: {  	_ =	shalt  }
0x77: {  	_ =	shalt  }
0x78: {  	_ =	shalt  }
0x79: {  	_ =	shalt  }
0x7a: {  	_ =	shalt  }
0x7b: {  	_ =	shalt  }
0x7c: {  	_ =	shalt  }
0x7d: {  	_ =	shalt  }
0x7e: {  	_ =	shalt  }
0x7f: {  	_ =	shalt  }
0x80: {  	_ =	shalt  }
0x81: {  	_ =	shalt  }
0x82: {  	_ =	shalt  }
0x83: {  	_ =	shalt  }
0x84: {  	_ =	shalt  }
0x85: {  	_ =	shalt  }
0x86: {  	_ =	shalt  }
0x87: {  	_ =	shalt  }
.Lfunc_end0:
.L_simem_size_0:
called_computation_lowered:
.L_overlay_start_0:
0x88: {  	s2 =	sld [smem:$0x3FD9]  }
0x89: {  	s3 =	sld [smem:$0x3FFE];
	_ =	sdelay $0x1  }
0x8a: {  	s1 =	srdreg.scid  }
0x8b: {  	s0 =	sand.u32 $0x1, s1  }
0x8c: {  	s17 =	sshll.u32 s0, $0xA;
	s2 =	sadd.s32 s3, s2  }
0x8d: {  	s2 =	sadd.s32 s2, s17  }
0x8e: {  	[smem:$0x3FC6] =	sst s2  }
0x8f: {  	_ = 	snop  }
0x90: {  	s2 =	sld [smem:$0x3FD0];
	(tm) =	ssettm $0x1  }
0x91: {  	s18 =	sld [smem:$0x3FFB];
	_ =	sdelay $0x3  }
0x92: {  	_ =	strace s18  }
0x93: {  	s3 =	sld [smem:$0x3FFC];
	_ =	sdelay $0x3  }
0x94: {  	_ =	strace s3  }
0x95: {  	s3 =	sld [smem:$0x3FFD];
	_ =	sdelay $0x3  }
0x96: {  	_ =	strace s3  }
0x97: {  	_ =	strace $0x8FFFFFFF  }
0x98: {  	s19 =	sld [smem:$0x3FDB];
	_ =	sdelay $0x1  }
0x99: {  	s4 =	simm.s32 $_scs_section_size  }
0x9a: {  	s5 =	simm.s32 $_size__tile_overlayer_lowered;
	s6 =	simm.s32 $_tile_overlayer_lowered  }
0x9b: {  	s22 =	simm.s32 $0x1BFF;
	s21 =	sshll.u32 s6, $0x1;
	s3 =	sadd.s32 s4, s19  }
0x9c: {  	s7 =	simm.s32 $0x0;
	s20 =	sshll.u32 s5, $0x1;
	s5 =	sadd.s32 s21, s3  }
0x9d: {  	[timem:s7], [sflag:s22] =	dma.local [hbm:s5], s20  }
0x9e: {  	_ =	swait.ge [sflag:s22], s20  }
0x9f: {  	s4 =	ssub.s32 $0x0, s20;
	[sflag:s22] =	ssyncset.done $0x0  }
0xa0: {  	[sflag:s22] =	ssyncadd.s32 s4;
	_ =	sdelay $0x1  }
0xa1: {  	s23 =	simm.s32 $0x1B8B  }
0xa2: {  	_ =	swait.ge [sflag:s23], $0x1  }
0xa3: {  	[sflag:s23] =	ssyncset.done $0x0  }
0xa4: {  	s25 =	simm.s32 $0x1B8E;
	s24 =	sld [smem:$0x3FFE];
	[sflag:s23] =	ssyncadd.s32 $0xFFFFFFFF  }
0xa5: {  	s26 =	simm.s32 $execute0_lowered;
	[smem:$0x3FD2] =	sst s25  }
0xa6: {  	s5 =	sshll.u32 s26, $0x1;
	_ =	strace $0x80000046;
	[dreg:$0x1] =	wrdreg $0xFFFFFFFF  }
0xa7: {  	s28 =	simm.s32 $_size_execute0_lowered;
	s3 =	sadd.s32 s3, s5;
	[dreg:$0x0] =	wrdreg $0x0  }
0xa8: {  	s5 =	sshll.u32 s28, $0x1;
	[dreg:$0x2] =	wrdreg s3  }
0xa9: {  	[dreg:$0x3] =	wrdreg s5  }
0xaa: {  	[dreg:$0x4] =	wrdreg $0xC0  }
0xab: {  	_ =	task [dreg:s7], $0x5FFFF  }
0xac: {  	[dreg:$0x1] =	wrdreg $0xFFFFFFFF  }
0xad: {  	[dreg:$0x0] =	wrdreg $0x60  }
0xae: {  	[dreg:$0x2] =	wrdreg s2  }
0xaf: {  	[dreg:$0x3] =	wrdreg s24  }
0xb0: {  	[dreg:$0x4] =	wrdreg $0x9  }
0xb1: {  	_ =	task.clear_ibuf [dreg:s7], $0x5FFFF;
	_ =	strace $0x90000046  }
0xb2: {  	s29 =	simm.s32 $0x9;
	_ =	strace $0x80000048  }
0xb3: {  	_ =	swait.ge [sflag:s29], $0x1  }
0xb4: {  	[sflag:s29] =	ssyncadd.s32 $0xFFFFFFFF  }
0xb5: {  	_ =	strace $0x90000048  }
0xb6: {  	_ =	sfence  }
0xb7: {  	s30 =	sld [smem:$0x0];
	_ =	sdelay $0x2  }
0xb8: {  	s31 =	sshll.u32 s1, $0xD;
	s1 =	sshrl.u32 s1, $0x2  }
0xb9: {  	s3 =	sand.u32 $0x4000, s31;
	s1 =	sadd.s32 s1, s30  }
0xba: {  	s0 =	sor.u32 s3, s0;
	s1 =	sshll.u32 s1, $0x11  }
0xbb: {  	s0 =	sor.u32 s1, s0  }
0xbc: {  	s0 =	sadd.s32 $0x8F2B, s0  }
0xbd: {  	[sflag:s0] =	ssyncadd.remote.s32 $0x1  }
0xbe: {  	_ =	sfence.sel $0xFFFF  }
0xbf: {  	[dreg:$0x0] =	wrdreg $0xFFFFFFFF;
	(pc) =	sbr.abs _section_cstart, $3  }
0xc0: {  	[dreg:$0x1] =	wrdreg $0xFFFFFFFF  }
0xc1: {  	_ =	task.clear_ibuf [dreg:s7], $0x2FFFF;
	_ =	strace $0x9FFFFFFF  }
0xc2: {  	(tm) =	ssettm $0x7FFFFFFF  }
0xc3: {  	_ =	shalt  }
tec
execute0_lowered:
.L_overlay_start_1:
0x0: {  	(tag) =	ssettag $0x1  }
0x1: {  	s1 =	rddreg [dreg:$0x0]  }
0x2: {  	s5 =	rddreg [dreg:$0x1]  }
0x3: {  	s0 =	rddreg [dreg:$0x2];
	s2 =	simm.s32 $0x0  }
0x4: {  	s3 =	srdreg.scid;
	s9 =	simm.s32 $0x80;
	s10 =	simm.s32 $0x8000  }
0x5: {  	s11 =	simm.s32 $0xB200;
	s12 =	simm.s32 $0x8080;
	s13 =	simm.s32 $0xC200  }
0x6: {  	s14 =	simm.s32 $0x8100;
	s15 =	simm.s32 $0xD200;
	s16 =	simm.s32 $0x8180  }
0x7: {  	s17 =	simm.s32 $0xE200;
	s18 =	simm.s32 $0x20;
	s19 =	simm.s32 $0x40  }
0x8: {  	s20 =	simm.s32 $0x4;
	s21 =	simm.s32 $0x3;
	s22 =	simm.s32 $0x0  }
.Ltmp0:
0x9: {  	[smem:$0x7FF] =	sst s2;
	s6 =	sand.u32 $0x1, s3;
	(pc) =	sbr.rel .LBB2_1-.Ltmp0, $4  }
0xa: {  	s4 =	sadd.s32 $0x800, s5;
	s3 =	stileid.u32;
	s7 =	ssub.s32 $0x2, s6  }
0xb: {  	s5 =	sadd.s32 $0x3D1200, s5;
	_ =	strace $0x80000047;
	s8 =	sshrl.u32 s7, $0x1  }
0xc: {  	s6 =	sshll.u32 s6, $0xD;
	s31 =	sshll.u32 s3, $0x9;
	s7 =	ssub.s32 s7, s8  }
0xd: {  	v0 =	vlaneseq.u32;
	v1 =	vimm.s32 $0x0;
	s6 =	sor.u32 s31, s6;
	s8 =	simm.s32 $0x5;
	s7 =	smax.u32 s7, $0x1  }
.LBB2_10:
0xe: {  	s22 =	sadd.s32 $0x1, s22  }
0xf: {  	p0 =	sne.s32 s22, s7  }
.Ltmp1:
0x10: {  	_ = 	snop;
	(pc) =	sbr.rel @!p0 .LBB2_11-.Ltmp1, $1  }
0x11: {  	_ =	sdelay $0x3  }
.LBB2_1:
.Ltmp2:
0x12: {  	(pc) =	sbr.rel .LBB2_2-.Ltmp2, $2  }
0x13: {  	_ =	sdelay $0x2  }
0x14: {  	p1 =	por $0x1, $0x1;
	s23 =	simm.s32 $0x0  }
.LBB2_9:
0x15: {  	_ =	swait.ge [sflag:s20], $0x4000  }
.Ltmp3:
0x16: {  	[sflag:s20] =	ssyncset.done $0x0;
	(pc) =	sbr.rel @!p0 .LBB2_10-.Ltmp3, $4  }
0x17: {  	[sflag:s20] =	ssyncadd.s32 $0xFFFFC000  }
0x18: {  	_ =	swait.ge [sflag:s21], $0x4000  }
0x19: {  	[sflag:s21] =	ssyncset.done $0x0  }
0x1a: {  	s23 =	simm.s32 $0x100;
	p1 =	por $0x0, $0x0;
	[sflag:s21] =	ssyncadd.s32 $0xFFFFC000  }
.LBB2_2:
0x1b: {  	s24 =	simm.s32 $0x0  }
0x1c: {  	v2 =	vor.u32 s24, v0  }
0x1d: {  	v3 =	vmulhi.u32 $0x51EB851F, v2;
	_ =	sdelay $0x1  }
0x1e: {  	v3 =	vshrl.u32 v3, $0x4  }
0x1f: {  	v4 =	vmul.u32 $0xFFFFFFCE, v3  }
0x20: {  	s25 =	simm.s32 $0x10  }
0x21: {  	v5 =	vor.u32 s25, v0;
	v6 =	vmov s24;
	v2 =	vadd.s32 v2, v4  }
0x22: {  	vm0 =	veq.s32 v6, v0;
	v4 =	vmulhi.u32 $0x51EB851F, v5;
	vm1 =	vne.s32 v2, $0x0  }
0x23: {  	vm0 =	vmand vm0, vm1  }
0x24: {  	v4 =	vshrl.u32 v4, $0x4;
	v6 =	vsel vm0, $0xFFFFFFFF, v1  }
0x25: {  	v7 =	vmul.u32 $0xFFFFFFCE, v4;
	v3 =	vadd.s32 v6, v3  }
0x26: {  	s26 =	simm.s32 $0x20;
	s31 =	sor.u32 s6, s23;
	v6 =	vmov s25;
	v3 =	vshll.u32 v3, $0x7  }
0x27: {  	s25 =	sshll.u32 s31, $0x4;
	v5 =	vadd.s32 v5, v7;
	v7 =	vor.u32 s26, v0;
	vm0 =	veq.s32 v6, v0  }
0x28: {  	s25 =	sadd.s32 s1, s25;
	vm1 =	vne.s32 v5, $0x0;
	v6 =	vmulhi.u32 $0x51EB851F, v7;
	v2 =	vor.u32 v2, v3  }
0x29: {  	[tilespmem:s24], [sflag:$0x5] =	stream.linear.gather [hbm4b:s25+s24], $0x8000, $0x38;
	vm0 =	vmand vm0, vm1;
	[tilespmem:$0x13200] =	vst v63  }
0x2a: {  	_ =	swait.ge [sflag:s8], $0x8000;
	v3 =	vsel vm0, $0xFFFFFFFF, v1;
	v6 =	vshrl.u32 v6, $0x4  }
0x2b: {  	v8 =	vmov s26;
	[sflag:s8] =	ssyncset.done $0x0;
	v3 =	vadd.s32 v3, v4;
	v4 =	vmul.u32 $0xFFFFFFCE, v6  }
0x2c: {  	s28 =	simm.s32 $0x30;
	vm0 =	veq.s32 v8, v0;
	[sflag:s8] =	ssyncadd.s32 $0xFFFF8000  }
0x2d: {  	v3 =	vshll.u32 v3, $0x7;
	v4 =	vadd.s32 v7, v4;
	v7 =	vor.u32 s28, v0;
	v9 =	vld.idx.msk [tilespmem:v2+s2+$0x0], $0xffff  }
0x2e: {  	v8 =	vor.u32 v5, v3;
	vm1 =	vne.s32 v4, $0x0;
	v2 =	vmulhi.u32 $0x51EB851F, v7  }
0x2f: {  	vm0 =	vmand vm0, vm1  }
0x30: {  	v3 =	vsel vm0, $0xFFFFFFFF, v1;
	v2 =	vshrl.u32 v2, $0x4  }
0x31: {  	s25 =	simm.s32 $0x8000;
	v3 =	vadd.s32 v3, v6;
	v6 =	vmul.u32 $0xFFFFFFCE, v2  }
0x32: {  	v3 =	vshll.u32 v3, $0x7;
	[tilespmem:s25+$0x0] =	vst v9  }
0x33: {  	v5 =	vor.u32 v4, v3;
	v3 =	vadd.s32 v7, v6;
	v6 =	vld.idx.msk [tilespmem:v8+s2+$0x0], $0xffff;
	_ =	sdelay $0x1  }
0x34: {  	v63 =	vmov s28;
	s24 =	simm.s32 $0x40  }
0x35: {  	p0 =	por p1, p1;
	s26 =	simm.s32 $0x50;
	vm0 =	veq.s32 v63, v0;
	v4 =	vor.u32 s24, v0;
	vm1 =	vne.s32 v3, $0x0  }
.LBB2_3:
0x36: {  	p1 =	sne.s32 s26, $0x31F0;
	v7 =	vmulhi.u32 $0x51EB851F, v4;
	vm0 =	vmand vm0, vm1;
	s25 =	sadd.s32 $0x10, s25  }
0x37: {  	v8 =	vsel vm0, $0xFFFFFFFF, v1;
	[tilespmem:s25+$0x0] =	vst v6  }
.Ltmp4:
0x38: {  	v8 =	vadd.s32 v8, v2;
	v2 =	vshrl.u32 v7, $0x4;
	v6 =	vld.idx.msk [tilespmem:v5+s2+$0x0], $0xffff;
	(pc) =	sbr.rel @p1 .LBB2_3-.Ltmp4, $4  }
0x39: {  	v7 =	vmul.u32 $0xFFFFFFCE, v2;
	v5 =	vshll.u32 v8, $0x7  }
0x3a: {  	v5 =	vor.u32 v3, v5  }
0x3b: {  	v8 =	vmov s24;
	s24 =	smov.u32 s26;
	v3 =	vadd.s32 v4, v7  }
0x3c: {  	s26 =	sadd.s32 $0x10, s26;
	vm0 =	veq.s32 v8, v0;
	v4 =	vor.u32 s24, v0;
	vm1 =	vne.s32 v3, $0x0  }
0x3d: {  	v7 =	vmulhi.u32 $0x51EB851F, v4  }
0x3e: {  	vm0 =	vmand vm0, vm1  }
0x3f: {  	s25 =	sadd.s32 $0x10, s25;
	v8 =	vsel vm0, $0xFFFFFFFF, v1;
	v7 =	vshrl.u32 v7, $0x4  }
0x40: {  	[tilespmem:s25+$0x0] =	vst v6;
	v2 =	vadd.s32 v8, v2;
	v62 =	vmul.u32 $0xFFFFFFCE, v7  }
0x41: {  	v5 =	vld.idx.msk [tilespmem:v5+s2+$0x0], $0xffff;
	v2 =	vshll.u32 v2, $0x7  }
0x42: {  	v2 =	vor.u32 v3, v2;
	v3 =	vmov s24;
	v63 =	vadd.s32 v4, v62  }
0x43: {  	vm14 =	veq.s32 v3, v0;
	vm15 =	vne.s32 v63, $0x0  }
0x44: {  	vm0 =	vmand vm14, vm15  }
0x45: {  	s31 =	sadd.s32 $0x10, s25;
	v3 =	vsel vm0, $0xFFFFFFFF, v1  }
0x46: {  	[tilespmem:s31+$0x0] =	vst v5;
	v3 =	vadd.s32 v3, v7  }
0x47: {  	v2 =	vld.idx.msk [tilespmem:v2+s2+$0x0], $0xffff;
	v3 =	vshll.u32 v3, $0x7  }
0x48: {  	v3 =	vor.u32 v63, v3;
	_ =	sdelay $0x2  }
0x49: {  	s24 =	sadd.s32 $0x10, s31  }
0x4a: {  	[tilespmem:s24+$0x0] =	vst v2  }
0x4b: {  	v2 =	vld.idx.msk [tilespmem:v3+s2+$0x0], $0xffff;
	_ =	sdelay $0x3  }
0x4c: {  	s24 =	sadd.s32 $0x10, s24  }
0x4d: {  	[tilespmem:s24+$0x0] =	vst v2  }
0x4e: {  	[tilespmem:s11], [sflag:$0x1] =	stream.indirect.gather [hbm4b:s4+s9], $0x20, s10, s9, $0xb8;
	[tilespmem:$0x13200] =	vst v63  }
0x4f: {  	_ = 	snop  }
0x50: {  	[tilespmem:s13], [sflag:$0x1] =	stream.indirect.gather [hbm4b:s4+s9], $0x20, s12, s9, $0xb8;
	[tilespmem:$0x13200] =	vst v63  }
.Ltmp5:
0x51: {  	s23 =	sadd.s32 s23, s6;
	(pc) =	sbr.rel .LBB2_5-.Ltmp5, $4  }
0x52: {  	s23 =	smul.u32 $0x190, s23  }
0x53: {  	[tilespmem:s15], [sflag:$0x1] =	stream.indirect.gather [hbm4b:s4+s9], $0x20, s14, s9, $0xb8;
	[tilespmem:$0x13200] =	vst v63  }
0x54: {  	s25 =	simm.s32 $0x1;
	s23 =	sadd.s32 s23, s5;
	s24 =	simm.s32 $0x0  }
0x55: {  	[tilespmem:s17], [sflag:$0x1] =	stream.indirect.gather [hbm4b:s4+s9], $0x20, s16, s9, $0xb8;
	[tilespmem:$0x13200] =	vst v63  }
.LBB2_8:
0x56: {  	s26 =	sshll.u32 s28, $0xE;
	s29 =	sshra.s32 s24, $0x2;
	s28 =	sadd.s32 $0x1, s28  }
0x57: {  	s24 =	sadd.s32 $0x800, s24;
	s30 =	sor.u32 $0xB200, s26;
	s31 =	sadd.s32 $0x8200, s29  }
0x58: {  	[tilespmem:s30], [sflag:s28] =	stream.indirect.gather [hbm4b:s4+s9], $0x20, s31, s9, $0xb8;
	[tilespmem:$0x13200] =	vst v63  }
0x59: {  	p1 =	sne.s32 s24, $0xC800;
	s30 =	sadd.s32 $0xC200, s26;
	s31 =	sadd.s32 $0x8280, s29  }
0x5a: {  	[tilespmem:s30], [sflag:s28] =	stream.indirect.gather [hbm4b:s4+s9], $0x20, s31, s9, $0xb8;
	[tilespmem:$0x13200] =	vst v63  }
.Ltmp6:
0x5b: {  	_ = 	snop;
	(pc) =	sbr.rel @!p1 .LBB2_9-.Ltmp6, $4  }
0x5c: {  	s23 =	sadd.s32 $0x1000, s23;
	s30 =	sadd.s32 $0xD200, s26;
	s31 =	sadd.s32 $0x8300, s29  }
0x5d: {  	[tilespmem:s30], [sflag:s28] =	stream.indirect.gather [hbm4b:s4+s9], $0x20, s31, s9, $0xb8;
	[tilespmem:$0x13200] =	vst v63  }
0x5e: {  	s25 =	sadd.s32 $0x1, s25;
	s26 =	sadd.s32 $0xE200, s26;
	s29 =	sadd.s32 $0x8380, s29  }
0x5f: {  	[tilespmem:s26], [sflag:s28] =	stream.indirect.gather [hbm4b:s4+s9], $0x20, s29, s9, $0xb8;
	[tilespmem:$0x13200] =	vst v63  }
.LBB2_5:
0x60: {  	s26 =	sadd.s32 $0xFFFFFFFF, s25  }
0x61: {  	s28 =	sand.u32 $0x1, s26  }
0x62: {  	s29 =	sadd.s32 $0x1, s28  }
0x63: {  	_ =	swait.ge [sflag:s29], $0x1000  }
0x64: {  	[sflag:s29] =	ssyncset.done $0x0  }
0x65: {  	[sflag:s29] =	ssyncadd.s32 $0xFFFFF000  }
0x66: {  	_ =	swait.ge [sflag:s29], $0x1000  }
0x67: {  	[sflag:s29] =	ssyncset.done $0x0  }
0x68: {  	[sflag:s29] =	ssyncadd.s32 $0xFFFFF000  }
0x69: {  	_ =	swait.ge [sflag:s29], $0x1000  }
0x6a: {  	[sflag:s29] =	ssyncset.done $0x0  }
0x6b: {  	p1 =	seq.s32 s26, $0x0;
	[sflag:s29] =	ssyncadd.s32 $0xFFFFF000  }
.Ltmp7:
0x6c: {  	_ =	swait.ge [sflag:s29], $0x1000;
	(pc) =	sbr.rel @p1 .LBB2_8-.Ltmp7, $4  }
0x6d: {  	s30 =	sshll.u32 s28, $0xE;
	[sflag:s29] =	ssyncset.done $0x0  }
0x6e: {  	s28 =	sadd.s32 $0x3, s28;
	s31 =	sor.u32 $0xB200, s30;
	[sflag:s29] =	ssyncadd.s32 $0xFFFFF000  }
0x6f: {  	[hbm4b:s23+s18] =	stream.strided.scatter [tilespmem:s31], [sflag:s28], $0x4000, s19, s18, $0x38;
	[tilespmem:$0x13200] =	vst v63  }
0x70: {  	s28 =	sand.u32 $0x1, s25  }
0x71: {  	p1 =	seq.s32 s26, $0x18  }
.Ltmp8:
0x72: {  	_ = 	snop;
	(pc) =	sbr.rel @p1 .LBB2_9-.Ltmp8, $1  }
0x73: {  	_ =	sdelay $0x3  }
.Ltmp9:
0x74: {  	(pc) =	sbr.rel .LBB2_8-.Ltmp9, $4  }
0x75: {  	s26 =	sadd.s32 $0x3, s28  }
0x76: {  	_ =	swait.ge [sflag:s26], $0x4000  }
0x77: {  	[sflag:s26] =	ssyncset.done $0x0  }
0x78: {  	[sflag:s26] =	ssyncadd.s32 $0xFFFFC000  }
.LBB2_11:
0x79: {  	_ =	sfence.sel $0x180000  }
0x7a: {  	[bflag:$0x0] =	sbarrier.arrive $0xFFFF  }
0x7b: {  	p0 =	sne.s32 s3, $0x0;
	_ =	strace $0x90000047  }
0x7c: {  	s0 =	sadd.s32 @!p0 $0x100000, s0;
	[bflag:$0x2] =	sbarrier.arrive $0xFFFF  }
0x7d: {  	[sflag:s0] =	ssyncadd.tile.s32 @!p0 $0x1;
	_ =	shalt  }
.Lfunc_end2:
_tile_overlayer_lowered:
.L_overlay_start_2:
0x7e: {  	(tag) =	ssettag $0x2  }
0x7f: {  	s0 =	rddreg [dreg:$0x0];
	s2 =	stileid.u32  }
0x80: {  	s1 =	rddreg [dreg:$0x1];
	p0 =	sne.s32 s2, $0x0  }
0x81: {  	s3 =	rddreg [dreg:$0x2];
	[bflag:$0x3] =	sbarrier.arrive $0xFFFF;
	s2 =	simm.s32 @!p0 $0x1C05  }
0x82: {  	[timem:s3], [sflag:s2] =	dma.local @!p0 [hbm:s0], s1  }
0x83: {  	s0 =	simm.s32 @!p0 $0x5  }
0x84: {  	_ =	swait.ge @!p0 [sflag:s0], s1  }
0x85: {  	s1 =	ssub.s32 @!p0 $0x0, s1;
	[sflag:s0] =	ssyncset.done @!p0 $0x0  }
0x86: {  	[sflag:s0] =	ssyncadd.s32 @!p0 s1  }
0x87: {  	[bflag:$0x3] =	sbarrier.arrive $0xFFFF  }
0x88: {  	_ =	shalt  }

</sc_bundles>
